<compile_context>
chip_gen: v7x
topology: tpu7x:2x2x1
jax: 0.10.2.dev20260603
libtpu: 0.0.44.dev20260713+nightly
codegen_flags: <defaults>
</compile_context>

<pallas_src>
import functools

import jax
import jax.numpy as jnp
from jax import lax
from jax.experimental import pallas as pl
from jax.experimental.pallas import tpu as pltpu
from jax.experimental.pallas import tpu_sc as plsc

_NC = 2
_NS = 16
_NW = _NC * _NS
_CH = 128
_NB = 4


@functools.partial(jax.jit, static_argnames=("n_rows", "d"))
def _gather_rows(idx_t, table, n_rows, d):
    b_per_w = n_rows // _NW
    n_chunk = b_per_w // _CH
    n_steady = (n_chunk - _NB) // _NB * _NB
    assert n_chunk >= 2 * _NB
    assert idx_t.shape == (n_chunk, _NW * _CH)
    mesh = plsc.VectorSubcoreMesh(core_axis_name="c", subcore_axis_name="s")

    @functools.partial(
        pl.kernel,
        mesh=mesh,
        out_type=jax.ShapeDtypeStruct((n_rows, d), jnp.float32),
        scratch_types=(
            [pltpu.VMEM((n_chunk, _CH), jnp.int32)]
            + [pltpu.VMEM((_CH, d), jnp.float32)] * _NB
            + [pltpu.SemaphoreType.DMA] * (2 * _NB + 1)
        ),
    )
    def k(idx_hbm, table_hbm, out_hbm, idx_v, *bufs):
        rows = bufs[:_NB]
        gsem = bufs[_NB:2 * _NB]
        ssem = bufs[2 * _NB:3 * _NB]
        isem = bufs[3 * _NB]
        wid = lax.axis_index("s") * _NC + lax.axis_index("c")

        def i_copy(j):
            return pltpu.make_async_copy(
                idx_hbm.at[j, pl.ds(wid * _CH, _CH)], idx_v.at[j], isem)

        def i_fire(j, carry):
            i_copy(j).start()
            return carry

        lax.fori_loop(0, n_chunk, i_fire, 0)

        def out_slice(j):
            return out_hbm.at[pl.ds(j * (n_rows // n_chunk) + wid * _CH, _CH)]

        def g_start(j, b):
            i_copy(j).wait()
            pltpu.async_copy(table_hbm.at[idx_v.at[j]], rows[b], gsem[b])

        def g_wait(j, b):
            pltpu.make_async_copy(
                table_hbm.at[idx_v.at[j]], rows[b], gsem[b]).wait()

        def s_start(j, b):
            pltpu.async_copy(rows[b], out_slice(j), ssem[b])

        def s_wait(j, b):
            pltpu.make_async_copy(rows[b], out_slice(j), ssem[b]).wait()

        def steady(j, b):
            bb = (b + 1) % _NB
            g_wait(j - _NB + 1, bb)
            s_start(j - _NB + 1, bb)
            s_wait(j - _NB, b)
            g_start(j, b)

        for b in range(_NB):
            g_start(b, b)
        g_wait(0, 0)
        s_start(0, 0)

        def body(g, carry):
            for p in range(_NB):
                steady(_NB * g + p, p)
            return carry

        lax.fori_loop(1, 1 + n_steady // _NB, body, 0)

        for j in range(_NB + n_steady, n_chunk):
            steady(j, j % _NB)
        for r in range(_NB - 1):
            jr = n_chunk - _NB + 1 + r
            g_wait(jr, jr % _NB)
            s_start(jr, jr % _NB)
            s_wait(jr - 1, (jr - 1) % _NB)
        s_wait(n_chunk - 1, (n_chunk - 1) % _NB)

    return k(idx_t, table)


def kernel(x, tok_emb):
    b, l = x.shape
    v, d = tok_emb.shape
    out = _gather_rows(x.T.astype(jnp.int32), tok_emb, b * l, d)
    return out.reshape(l, b, d).transpose(1, 0, 2)

# --- scband reference (transcript-rebuilt; emitter-appended) ---
"""Pipeline reference for scband-token-embedder-6012954214613 (READ-ONLY COPY).

The authoritative reference and input builder live on the scoring server;
editing this copy changes nothing except your own understanding.
"""

import jax, jax.numpy as jnp
import numpy as np

DICT_SIZE = 100000
HIDDEN = 128
B = 4096
L = 50

def setup_inputs(seed: int = 0) -> dict:
    key = jax.random.key(seed)
    k_idx, k_tab = jax.random.split(key)
    x = jax.random.randint(k_idx, (B, L), 0, DICT_SIZE, dtype=jnp.int64 if jax.config.jax_enable_x64 else jnp.int32)
    tok_emb = jax.random.normal(k_tab, (DICT_SIZE, HIDDEN), dtype=jnp.float32)
    return {"x": x, "tok_emb": tok_emb}

def reference(x, tok_emb):
    # torch.nn.Embedding lookup -> gather rows of the table
    return jnp.take(tok_emb, x, axis=0)

if __name__ == "__main__":
    import jax
    _d = setup_inputs()
    print(jax.jit(kernel)(*tuple(_d.values())))

</pallas_src>

<mosaic_0001>
#map = affine_map<(d0, d1) -> (0, 0)>
module attributes {stable_mosaic.version = 14 : i64} {
  func.func @k(%arg0: i32, %arg1: i32, %arg2: memref<50x4096xi32, #tpu.memory_space<hbm>>, %arg3: memref<100000x128xf32, #tpu.memory_space<hbm>>, %arg4: memref<204800x128xf32, #tpu.memory_space<hbm>>, %arg5: memref<50x128xi32, #tpu.memory_space<vmem>>, %arg6: memref<128x128xf32, #tpu.memory_space<vmem>>, %arg7: memref<128x128xf32, #tpu.memory_space<vmem>>, %arg8: memref<128x128xf32, #tpu.memory_space<vmem>>, %arg9: memref<128x128xf32, #tpu.memory_space<vmem>>, %arg10: memref<!tpu.dma_semaphore, #tpu.memory_space<semaphore_mem>>, %arg11: memref<!tpu.dma_semaphore, #tpu.memory_space<semaphore_mem>>, %arg12: memref<!tpu.dma_semaphore, #tpu.memory_space<semaphore_mem>>, %arg13: memref<!tpu.dma_semaphore, #tpu.memory_space<semaphore_mem>>, %arg14: memref<!tpu.dma_semaphore, #tpu.memory_space<semaphore_mem>>, %arg15: memref<!tpu.dma_semaphore, #tpu.memory_space<semaphore_mem>>, %arg16: memref<!tpu.dma_semaphore, #tpu.memory_space<semaphore_mem>>, %arg17: memref<!tpu.dma_semaphore, #tpu.memory_space<semaphore_mem>>, %arg18: memref<!tpu.dma_semaphore, #tpu.memory_space<semaphore_mem>>) attributes {dimension_semantics = [#tpu.dimension_semantics<core_parallel>, #tpu.dimension_semantics<subcore_parallel>], iteration_bounds = array<i64: 2, 16>, scalar_prefetch = 0 : i64, scratch_operands = 14 : i64, tpu.core_type = #tpu.core_type<sc_vector_subcore>, window_params = [{transform_indices = #map}, {transform_indices = #map}, {transform_indices = #map}]} {
    %mul3A = arith.constant 2 : i32
    %mul3A_0 = arith.muli %arg1, %mul3A : i32
    %add3A = arith.addi %mul3A_0, %arg0 : i32
    %scan3A = arith.constant 0 : i32
    %scan3A_1 = arith.constant 0 : i32
    %scan3A_2 = arith.constant 50 : i32
    %scan3A_3 = arith.addi %scan3A_1, %scan3A_2 : i32
    %scan3A_4 = arith.constant 1 : i32
    scf.for %scan3A_274 = %scan3A_1 to %scan3A_3 step %scan3A_4  : i32 {
      %mul3A_275 = arith.constant 128 : i32
      %mul3A_276 = arith.muli %add3A, %mul3A_275 : i32
      %dma_start3A_277 = arith.constant 0 : i32
      %dma_start3A_278 = tpu.memref_slice %arg5[%scan3A_274, %dma_start3A_277] : memref<50x128xi32, #tpu.memory_space<vmem>> -> memref<1x128xi32, #tpu.memory_space<vmem>>
      %dma_start3A_279 = tpu.memref_squeeze %dma_start3A_278 : memref<1x128xi32, #tpu.memory_space<vmem>> -> memref<128xi32, #tpu.memory_space<vmem>>
      %dma_start3A_280 = tpu.memref_slice %arg2[%scan3A_274, %mul3A_276] : memref<50x4096xi32, #tpu.memory_space<hbm>> -> memref<1x128xi32, #tpu.memory_space<hbm>>
      %dma_start3A_281 = tpu.memref_squeeze %dma_start3A_280 : memref<1x128xi32, #tpu.memory_space<hbm>> -> memref<128xi32, #tpu.memory_space<hbm>>
      %dma_start3A_282 = arith.constant 0 : i32
      %dma_start3A_283 = tpu.memref_slice %arg5[%scan3A_274, %dma_start3A_282] : memref<50x128xi32, #tpu.memory_space<vmem>> -> memref<1x128xi32, #tpu.memory_space<vmem>>
      %dma_start3A_284 = tpu.memref_squeeze %dma_start3A_283 : memref<1x128xi32, #tpu.memory_space<vmem>> -> memref<128xi32, #tpu.memory_space<vmem>>
      %dma_start3A_285 = tpu.memref_slice %arg2[%scan3A_274, %mul3A_276] : memref<50x4096xi32, #tpu.memory_space<hbm>> -> memref<1x128xi32, #tpu.memory_space<hbm>>
      %dma_start3A_286 = tpu.memref_squeeze %dma_start3A_285 : memref<1x128xi32, #tpu.memory_space<hbm>> -> memref<128xi32, #tpu.memory_space<hbm>>
      tpu.enqueue_dma source(%dma_start3A_286 : memref<128xi32, #tpu.memory_space<hbm>>) target(%dma_start3A_284 : memref<128xi32, #tpu.memory_space<vmem>>) target_semaphore(%arg18 : memref<!tpu.dma_semaphore, #tpu.memory_space<semaphore_mem>>)
    }
    %scan3A_5 = arith.constant 50 : i32
    %mul3A_6 = arith.constant 128 : i32
    %mul3A_7 = arith.muli %add3A, %mul3A_6 : i32
    %dma_wait3A = arith.constant 0 : i32
    %dma_wait3A_8 = arith.constant 0 : i32
    %dma_wait3A_9 = arith.constant 0 : i32
    %dma_wait3A_10 = tpu.memref_slice %arg5[%dma_wait3A_8, %dma_wait3A_9] : memref<50x128xi32, #tpu.memory_space<vmem>> -> memref<1x128xi32, #tpu.memory_space<vmem>>
    %dma_wait3A_11 = tpu.memref_squeeze %dma_wait3A_10 : memref<1x128xi32, #tpu.memory_space<vmem>> -> memref<128xi32, #tpu.memory_space<vmem>>
    %dma_wait3A_12 = tpu.memref_slice %arg2[%dma_wait3A, %mul3A_7] : memref<50x4096xi32, #tpu.memory_space<hbm>> -> memref<1x128xi32, #tpu.memory_space<hbm>>
    %dma_wait3A_13 = tpu.memref_squeeze %dma_wait3A_12 : memref<1x128xi32, #tpu.memory_space<hbm>> -> memref<128xi32, #tpu.memory_space<hbm>>
    %dma_wait3A_14 = arith.constant 0 : i32
    %dma_wait3A_15 = tpu.memref_slice %arg5[%dma_wait3A_8, %dma_wait3A_14] : memref<50x128xi32, #tpu.memory_space<vmem>> -> memref<1x128xi32, #tpu.memory_space<vmem>>
    %dma_wait3A_16 = tpu.memref_squeeze %dma_wait3A_15 : memref<1x128xi32, #tpu.memory_space<vmem>> -> memref<128xi32, #tpu.memory_space<vmem>>
    %dma_wait3A_17 = tpu.memref_slice %arg2[%dma_wait3A, %mul3A_7] : memref<50x4096xi32, #tpu.memory_space<hbm>> -> memref<1x128xi32, #tpu.memory_space<hbm>>
    %dma_wait3A_18 = tpu.memref_squeeze %dma_wait3A_17 : memref<1x128xi32, #tpu.memory_space<hbm>> -> memref<128xi32, #tpu.memory_space<hbm>>
    tpu.wait_dma2 semaphore(%arg18 : memref<!tpu.dma_semaphore, #tpu.memory_space<semaphore_mem>>) src(%dma_wait3A_18 : memref<128xi32, #tpu.memory_space<hbm>>) dst(%dma_wait3A_16 : memref<128xi32, #tpu.memory_space<vmem>>)
    %dma_start3A = arith.constant 0 : i32
    %dma_start3A_19 = arith.constant 0 : i32
    %dma_start3A_20 = tpu.memref_slice %arg5[%dma_start3A, %dma_start3A_19] : memref<50x128xi32, #tpu.memory_space<vmem>> -> memref<1x128xi32, #tpu.memory_space<vmem>>
    %dma_start3A_21 = tpu.memref_squeeze %dma_start3A_20 : memref<1x128xi32, #tpu.memory_space<vmem>> -> memref<128xi32, #tpu.memory_space<vmem>>
    %dma_start3A_22 = arith.constant 0 : i32
    %dma_start3A_23 = arith.constant 0 : i32
    %dma_start3A_24 = tpu.memref_slice %arg3[%dma_start3A_22, %dma_start3A_23] : memref<100000x128xf32, #tpu.memory_space<hbm>> -> memref<100000x128xf32, #tpu.memory_space<hbm>>
    tpu.enqueue_indirect_dma source(%dma_start3A_24 : memref<100000x128xf32, #tpu.memory_space<hbm>>) target(%arg6 : memref<128x128xf32, #tpu.memory_space<vmem>>) offsets(%dma_start3A_21 : memref<128xi32, #tpu.memory_space<vmem>>) semaphore(%arg10 : memref<!tpu.dma_semaphore, #tpu.memory_space<semaphore_mem>>)
    %mul3A_25 = arith.constant 128 : i32
    %mul3A_26 = arith.muli %add3A, %mul3A_25 : i32
    %dma_wait3A_27 = arith.constant 1 : i32
    %dma_wait3A_28 = arith.constant 1 : i32
    %dma_wait3A_29 = arith.constant 0 : i32
    %dma_wait3A_30 = tpu.memref_slice %arg5[%dma_wait3A_28, %dma_wait3A_29] : memref<50x128xi32, #tpu.memory_space<vmem>> -> memref<1x128xi32, #tpu.memory_space<vmem>>
    %dma_wait3A_31 = tpu.memref_squeeze %dma_wait3A_30 : memref<1x128xi32, #tpu.memory_space<vmem>> -> memref<128xi32, #tpu.memory_space<vmem>>
    %dma_wait3A_32 = tpu.memref_slice %arg2[%dma_wait3A_27, %mul3A_26] : memref<50x4096xi32, #tpu.memory_space<hbm>> -> memref<1x128xi32, #tpu.memory_space<hbm>>
    %dma_wait3A_33 = tpu.memref_squeeze %dma_wait3A_32 : memref<1x128xi32, #tpu.memory_space<hbm>> -> memref<128xi32, #tpu.memory_space<hbm>>
    %dma_wait3A_34 = arith.constant 0 : i32
    %dma_wait3A_35 = tpu.memref_slice %arg5[%dma_wait3A_28, %dma_wait3A_34] : memref<50x128xi32, #tpu.memory_space<vmem>> -> memref<1x128xi32, #tpu.memory_space<vmem>>
    %dma_wait3A_36 = tpu.memref_squeeze %dma_wait3A_35 : memref<1x128xi32, #tpu.memory_space<vmem>> -> memref<128xi32, #tpu.memory_space<vmem>>
    %dma_wait3A_37 = tpu.memref_slice %arg2[%dma_wait3A_27, %mul3A_26] : memref<50x4096xi32, #tpu.memory_space<hbm>> -> memref<1x128xi32, #tpu.memory_space<hbm>>
    %dma_wait3A_38 = tpu.memref_squeeze %dma_wait3A_37 : memref<1x128xi32, #tpu.memory_space<hbm>> -> memref<128xi32, #tpu.memory_space<hbm>>
    tpu.wait_dma2 semaphore(%arg18 : memref<!tpu.dma_semaphore, #tpu.memory_space<semaphore_mem>>) src(%dma_wait3A_38 : memref<128xi32, #tpu.memory_space<hbm>>) dst(%dma_wait3A_36 : memref<128xi32, #tpu.memory_space<vmem>>)
    %dma_start3A_39 = arith.constant 1 : i32
    %dma_start3A_40 = arith.constant 0 : i32
    %dma_start3A_41 = tpu.memref_slice %arg5[%dma_start3A_39, %dma_start3A_40] : memref<50x128xi32, #tpu.memory_space<vmem>> -> memref<1x128xi32, #tpu.memory_space<vmem>>
    %dma_start3A_42 = tpu.memref_squeeze %dma_start3A_41 : memref<1x128xi32, #tpu.memory_space<vmem>> -> memref<128xi32, #tpu.memory_space<vmem>>
    %dma_start3A_43 = arith.constant 0 : i32
    %dma_start3A_44 = arith.constant 0 : i32
    %dma_start3A_45 = tpu.memref_slice %arg3[%dma_start3A_43, %dma_start3A_44] : memref<100000x128xf32, #tpu.memory_space<hbm>> -> memref<100000x128xf32, #tpu.memory_space<hbm>>
    tpu.enqueue_indirect_dma source(%dma_start3A_45 : memref<100000x128xf32, #tpu.memory_space<hbm>>) target(%arg7 : memref<128x128xf32, #tpu.memory_space<vmem>>) offsets(%dma_start3A_42 : memref<128xi32, #tpu.memory_space<vmem>>) semaphore(%arg11 : memref<!tpu.dma_semaphore, #tpu.memory_space<semaphore_mem>>)
    %mul3A_46 = arith.constant 128 : i32
    %mul3A_47 = arith.muli %add3A, %mul3A_46 : i32
    %dma_wait3A_48 = arith.constant 2 : i32
    %dma_wait3A_49 = arith.constant 2 : i32
    %dma_wait3A_50 = arith.constant 0 : i32
    %dma_wait3A_51 = tpu.memref_slice %arg5[%dma_wait3A_49, %dma_wait3A_50] : memref<50x128xi32, #tpu.memory_space<vmem>> -> memref<1x128xi32, #tpu.memory_space<vmem>>
    %dma_wait3A_52 = tpu.memref_squeeze %dma_wait3A_51 : memref<1x128xi32, #tpu.memory_space<vmem>> -> memref<128xi32, #tpu.memory_space<vmem>>
    %dma_wait3A_53 = tpu.memref_slice %arg2[%dma_wait3A_48, %mul3A_47] : memref<50x4096xi32, #tpu.memory_space<hbm>> -> memref<1x128xi32, #tpu.memory_space<hbm>>
    %dma_wait3A_54 = tpu.memref_squeeze %dma_wait3A_53 : memref<1x128xi32, #tpu.memory_space<hbm>> -> memref<128xi32, #tpu.memory_space<hbm>>
    %dma_wait3A_55 = arith.constant 0 : i32
    %dma_wait3A_56 = tpu.memref_slice %arg5[%dma_wait3A_49, %dma_wait3A_55] : memref<50x128xi32, #tpu.memory_space<vmem>> -> memref<1x128xi32, #tpu.memory_space<vmem>>
    %dma_wait3A_57 = tpu.memref_squeeze %dma_wait3A_56 : memref<1x128xi32, #tpu.memory_space<vmem>> -> memref<128xi32, #tpu.memory_space<vmem>>
    %dma_wait3A_58 = tpu.memref_slice %arg2[%dma_wait3A_48, %mul3A_47] : memref<50x4096xi32, #tpu.memory_space<hbm>> -> memref<1x128xi32, #tpu.memory_space<hbm>>
    %dma_wait3A_59 = tpu.memref_squeeze %dma_wait3A_58 : memref<1x128xi32, #tpu.memory_space<hbm>> -> memref<128xi32, #tpu.memory_space<hbm>>
    tpu.wait_dma2 semaphore(%arg18 : memref<!tpu.dma_semaphore, #tpu.memory_space<semaphore_mem>>) src(%dma_wait3A_59 : memref<128xi32, #tpu.memory_space<hbm>>) dst(%dma_wait3A_57 : memref<128xi32, #tpu.memory_space<vmem>>)
    %dma_start3A_60 = arith.constant 2 : i32
    %dma_start3A_61 = arith.constant 0 : i32
    %dma_start3A_62 = tpu.memref_slice %arg5[%dma_start3A_60, %dma_start3A_61] : memref<50x128xi32, #tpu.memory_space<vmem>> -> memref<1x128xi32, #tpu.memory_space<vmem>>
    %dma_start3A_63 = tpu.memref_squeeze %dma_start3A_62 : memref<1x128xi32, #tpu.memory_space<vmem>> -> memref<128xi32, #tpu.memory_space<vmem>>
    %dma_start3A_64 = arith.constant 0 : i32
    %dma_start3A_65 = arith.constant 0 : i32
    %dma_start3A_66 = tpu.memref_slice %arg3[%dma_start3A_64, %dma_start3A_65] : memref<100000x128xf32, #tpu.memory_space<hbm>> -> memref<100000x128xf32, #tpu.memory_space<hbm>>
    tpu.enqueue_indirect_dma source(%dma_start3A_66 : memref<100000x128xf32, #tpu.memory_space<hbm>>) target(%arg8 : memref<128x128xf32, #tpu.memory_space<vmem>>) offsets(%dma_start3A_63 : memref<128xi32, #tpu.memory_space<vmem>>) semaphore(%arg12 : memref<!tpu.dma_semaphore, #tpu.memory_space<semaphore_mem>>)
    %mul3A_67 = arith.constant 128 : i32
    %mul3A_68 = arith.muli %add3A, %mul3A_67 : i32
    %dma_wait3A_69 = arith.constant 3 : i32
    %dma_wait3A_70 = arith.constant 3 : i32
    %dma_wait3A_71 = arith.constant 0 : i32
    %dma_wait3A_72 = tpu.memref_slice %arg5[%dma_wait3A_70, %dma_wait3A_71] : memref<50x128xi32, #tpu.memory_space<vmem>> -> memref<1x128xi32, #tpu.memory_space<vmem>>
    %dma_wait3A_73 = tpu.memref_squeeze %dma_wait3A_72 : memref<1x128xi32, #tpu.memory_space<vmem>> -> memref<128xi32, #tpu.memory_space<vmem>>
    %dma_wait3A_74 = tpu.memref_slice %arg2[%dma_wait3A_69, %mul3A_68] : memref<50x4096xi32, #tpu.memory_space<hbm>> -> memref<1x128xi32, #tpu.memory_space<hbm>>
    %dma_wait3A_75 = tpu.memref_squeeze %dma_wait3A_74 : memref<1x128xi32, #tpu.memory_space<hbm>> -> memref<128xi32, #tpu.memory_space<hbm>>
    %dma_wait3A_76 = arith.constant 0 : i32
    %dma_wait3A_77 = tpu.memref_slice %arg5[%dma_wait3A_70, %dma_wait3A_76] : memref<50x128xi32, #tpu.memory_space<vmem>> -> memref<1x128xi32, #tpu.memory_space<vmem>>
    %dma_wait3A_78 = tpu.memref_squeeze %dma_wait3A_77 : memref<1x128xi32, #tpu.memory_space<vmem>> -> memref<128xi32, #tpu.memory_space<vmem>>
    %dma_wait3A_79 = tpu.memref_slice %arg2[%dma_wait3A_69, %mul3A_68] : memref<50x4096xi32, #tpu.memory_space<hbm>> -> memref<1x128xi32, #tpu.memory_space<hbm>>
    %dma_wait3A_80 = tpu.memref_squeeze %dma_wait3A_79 : memref<1x128xi32, #tpu.memory_space<hbm>> -> memref<128xi32, #tpu.memory_space<hbm>>
    tpu.wait_dma2 semaphore(%arg18 : memref<!tpu.dma_semaphore, #tpu.memory_space<semaphore_mem>>) src(%dma_wait3A_80 : memref<128xi32, #tpu.memory_space<hbm>>) dst(%dma_wait3A_78 : memref<128xi32, #tpu.memory_space<vmem>>)
    %dma_start3A_81 = arith.constant 3 : i32
    %dma_start3A_82 = arith.constant 0 : i32
    %dma_start3A_83 = tpu.memref_slice %arg5[%dma_start3A_81, %dma_start3A_82] : memref<50x128xi32, #tpu.memory_space<vmem>> -> memref<1x128xi32, #tpu.memory_space<vmem>>
    %dma_start3A_84 = tpu.memref_squeeze %dma_start3A_83 : memref<1x128xi32, #tpu.memory_space<vmem>> -> memref<128xi32, #tpu.memory_space<vmem>>
    %dma_start3A_85 = arith.constant 0 : i32
    %dma_start3A_86 = arith.constant 0 : i32
    %dma_start3A_87 = tpu.memref_slice %arg3[%dma_start3A_85, %dma_start3A_86] : memref<100000x128xf32, #tpu.memory_space<hbm>> -> memref<100000x128xf32, #tpu.memory_space<hbm>>
    tpu.enqueue_indirect_dma source(%dma_start3A_87 : memref<100000x128xf32, #tpu.memory_space<hbm>>) target(%arg9 : memref<128x128xf32, #tpu.memory_space<vmem>>) offsets(%dma_start3A_84 : memref<128xi32, #tpu.memory_space<vmem>>) semaphore(%arg13 : memref<!tpu.dma_semaphore, #tpu.memory_space<semaphore_mem>>)
    %dma_wait3A_88 = arith.constant 0 : i32
    %dma_wait3A_89 = arith.constant 0 : i32
    %dma_wait3A_90 = tpu.memref_slice %arg5[%dma_wait3A_88, %dma_wait3A_89] : memref<50x128xi32, #tpu.memory_space<vmem>> -> memref<1x128xi32, #tpu.memory_space<vmem>>
    %dma_wait3A_91 = tpu.memref_squeeze %dma_wait3A_90 : memref<1x128xi32, #tpu.memory_space<vmem>> -> memref<128xi32, #tpu.memory_space<vmem>>
    %dma_wait3A_92 = arith.constant 0 : i32
    %dma_wait3A_93 = arith.constant 0 : i32
    %dma_wait3A_94 = tpu.memref_slice %arg3[%dma_wait3A_92, %dma_wait3A_93] : memref<100000x128xf32, #tpu.memory_space<hbm>> -> memref<100000x128xf32, #tpu.memory_space<hbm>>
    tpu.wait_indirect_dma semaphore(%arg10 : memref<!tpu.dma_semaphore, #tpu.memory_space<semaphore_mem>>) src(%dma_wait3A_94 : memref<100000x128xf32, #tpu.memory_space<hbm>>) dst(%arg6 : memref<128x128xf32, #tpu.memory_space<vmem>>)
    %mul3A_95 = arith.constant 128 : i32
    %mul3A_96 = arith.muli %add3A, %mul3A_95 : i32
    %add3A_97 = arith.constant 0 : i32
    %add3A_98 = arith.addi %add3A_97, %mul3A_96 : i32
    %dma_start3A_99 = arith.constant 0 : i32
    %dma_start3A_100 = tpu.memref_slice %arg4[%add3A_98, %dma_start3A_99] : memref<204800x128xf32, #tpu.memory_space<hbm>> -> memref<128x128xf32, #tpu.memory_space<hbm>>
    %dma_start3A_101 = arith.constant 0 : i32
    %dma_start3A_102 = tpu.memref_slice %arg4[%add3A_98, %dma_start3A_101] : memref<204800x128xf32, #tpu.memory_space<hbm>> -> memref<128x128xf32, #tpu.memory_space<hbm>>
    tpu.enqueue_dma source(%arg6 : memref<128x128xf32, #tpu.memory_space<vmem>>) target(%dma_start3A_102 : memref<128x128xf32, #tpu.memory_space<hbm>>) target_semaphore(%arg14 : memref<!tpu.dma_semaphore, #tpu.memory_space<semaphore_mem>>)
    %scan3A_103 = arith.constant 0 : i32
    %scan3A_104 = arith.constant 1 : i32
    %scan3A_105 = arith.constant 11 : i32
    %scan3A_106 = arith.addi %scan3A_104, %scan3A_105 : i32
    %scan3A_107 = arith.constant 1 : i32
    scf.for %scan3A_274 = %scan3A_104 to %scan3A_106 step %scan3A_107  : i32 {
      %mul3A_275 = arith.constant 4 : i32
      %mul3A_276 = arith.muli %mul3A_275, %scan3A_274 : i32
      %add3A_277 = arith.constant 0 : i32
      %add3A_278 = arith.addi %mul3A_276, %add3A_277 : i32
      %sub3A = arith.constant 4 : i32
      %sub3A_279 = arith.subi %add3A_278, %sub3A : i32
      %add3A_280 = arith.constant 1 : i32
      %add3A_281 = arith.addi %sub3A_279, %add3A_280 : i32
      %dma_wait3A_282 = arith.constant 0 : i32
      %dma_wait3A_283 = tpu.memref_slice %arg5[%add3A_281, %dma_wait3A_282] : memref<50x128xi32, #tpu.memory_space<vmem>> -> memref<1x128xi32, #tpu.memory_space<vmem>>
      %dma_wait3A_284 = tpu.memref_squeeze %dma_wait3A_283 : memref<1x128xi32, #tpu.memory_space<vmem>> -> memref<128xi32, #tpu.memory_space<vmem>>
      %dma_wait3A_285 = arith.constant 0 : i32
      %dma_wait3A_286 = arith.constant 0 : i32
      %dma_wait3A_287 = tpu.memref_slice %arg3[%dma_wait3A_285, %dma_wait3A_286] : memref<100000x128xf32, #tpu.memory_space<hbm>> -> memref<100000x128xf32, #tpu.memory_space<hbm>>
      tpu.wait_indirect_dma semaphore(%arg11 : memref<!tpu.dma_semaphore, #tpu.memory_space<semaphore_mem>>) src(%dma_wait3A_287 : memref<100000x128xf32, #tpu.memory_space<hbm>>) dst(%arg7 : memref<128x128xf32, #tpu.memory_space<vmem>>)
      %sub3A_288 = arith.constant 4 : i32
      %sub3A_289 = arith.subi %add3A_278, %sub3A_288 : i32
      %add3A_290 = arith.constant 1 : i32
      %add3A_291 = arith.addi %sub3A_289, %add3A_290 : i32
      %mul3A_292 = arith.constant 4096 : i32
      %mul3A_293 = arith.muli %add3A_291, %mul3A_292 : i32
      %mul3A_294 = arith.constant 128 : i32
      %mul3A_295 = arith.muli %add3A, %mul3A_294 : i32
      %add3A_296 = arith.addi %mul3A_293, %mul3A_295 : i32
      %dma_start3A_297 = arith.constant 0 : i32
      %dma_start3A_298 = tpu.memref_slice %arg4[%add3A_296, %dma_start3A_297] : memref<204800x128xf32, #tpu.memory_space<hbm>> -> memref<128x128xf32, #tpu.memory_space<hbm>>
      %dma_start3A_299 = arith.constant 0 : i32
      %dma_start3A_300 = tpu.memref_slice %arg4[%add3A_296, %dma_start3A_299] : memref<204800x128xf32, #tpu.memory_space<hbm>> -> memref<128x128xf32, #tpu.memory_space<hbm>>
      tpu.enqueue_dma source(%arg7 : memref<128x128xf32, #tpu.memory_space<vmem>>) target(%dma_start3A_300 : memref<128x128xf32, #tpu.memory_space<hbm>>) target_semaphore(%arg15 : memref<!tpu.dma_semaphore, #tpu.memory_space<semaphore_mem>>)
      %sub3A_301 = arith.constant 4 : i32
      %sub3A_302 = arith.subi %add3A_278, %sub3A_301 : i32
      %mul3A_303 = arith.constant 4096 : i32
      %mul3A_304 = arith.muli %sub3A_302, %mul3A_303 : i32
      %mul3A_305 = arith.constant 128 : i32
      %mul3A_306 = arith.muli %add3A, %mul3A_305 : i32
      %add3A_307 = arith.addi %mul3A_304, %mul3A_306 : i32
      %dma_wait3A_308 = arith.constant 0 : i32
      %dma_wait3A_309 = tpu.memref_slice %arg4[%add3A_307, %dma_wait3A_308] : memref<204800x128xf32, #tpu.memory_space<hbm>> -> memref<128x128xf32, #tpu.memory_space<hbm>>
      %dma_wait3A_310 = arith.constant 0 : i32
      %dma_wait3A_311 = tpu.memref_slice %arg4[%add3A_307, %dma_wait3A_310] : memref<204800x128xf32, #tpu.memory_space<hbm>> -> memref<128x128xf32, #tpu.memory_space<hbm>>
      tpu.wait_dma2 semaphore(%arg14 : memref<!tpu.dma_semaphore, #tpu.memory_space<semaphore_mem>>) src(%arg6 : memref<128x128xf32, #tpu.memory_space<vmem>>) dst(%dma_wait3A_311 : memref<128x128xf32, #tpu.memory_space<hbm>>)
      %mul3A_312 = arith.constant 128 : i32
      %mul3A_313 = arith.muli %add3A, %mul3A_312 : i32
      %dma_wait3A_314 = arith.constant 0 : i32
      %dma_wait3A_315 = tpu.memref_slice %arg5[%add3A_278, %dma_wait3A_314] : memref<50x128xi32, #tpu.memory_space<vmem>> -> memref<1x128xi32, #tpu.memory_space<vmem>>
      %dma_wait3A_316 = tpu.memref_squeeze %dma_wait3A_315 : memref<1x128xi32, #tpu.memory_space<vmem>> -> memref<128xi32, #tpu.memory_space<vmem>>
      %dma_wait3A_317 = tpu.memref_slice %arg2[%add3A_278, %mul3A_313] : memref<50x4096xi32, #tpu.memory_space<hbm>> -> memref<1x128xi32, #tpu.memory_space<hbm>>
      %dma_wait3A_318 = tpu.memref_squeeze %dma_wait3A_317 : memref<1x128xi32, #tpu.memory_space<hbm>> -> memref<128xi32, #tpu.memory_space<hbm>>
      %dma_wait3A_319 = arith.constant 0 : i32
      %dma_wait3A_320 = tpu.memref_slice %arg5[%add3A_278, %dma_wait3A_319] : memref<50x128xi32, #tpu.memory_space<vmem>> -> memref<1x128xi32, #tpu.memory_space<vmem>>
      %dma_wait3A_321 = tpu.memref_squeeze %dma_wait3A_320 : memref<1x128xi32, #tpu.memory_space<vmem>> -> memref<128xi32, #tpu.memory_space<vmem>>
      %dma_wait3A_322 = tpu.memref_slice %arg2[%add3A_278, %mul3A_313] : memref<50x4096xi32, #tpu.memory_space<hbm>> -> memref<1x128xi32, #tpu.memory_space<hbm>>
      %dma_wait3A_323 = tpu.memref_squeeze %dma_wait3A_322 : memref<1x128xi32, #tpu.memory_space<hbm>> -> memref<128xi32, #tpu.memory_space<hbm>>
      tpu.wait_dma2 semaphore(%arg18 : memref<!tpu.dma_semaphore, #tpu.memory_space<semaphore_mem>>) src(%dma_wait3A_323 : memref<128xi32, #tpu.memory_space<hbm>>) dst(%dma_wait3A_321 : memref<128xi32, #tpu.memory_space<vmem>>)
      %dma_start3A_324 = arith.constant 0 : i32
      %dma_start3A_325 = tpu.memref_slice %arg5[%add3A_278, %dma_start3A_324] : memref<50x128xi32, #tpu.memory_space<vmem>> -> memref<1x128xi32, #tpu.memory_space<vmem>>
      %dma_start3A_326 = tpu.memref_squeeze %dma_start3A_325 : memref<1x128xi32, #tpu.memory_space<vmem>> -> memref<128xi32, #tpu.memory_space<vmem>>
      %dma_start3A_327 = arith.constant 0 : i32
      %dma_start3A_328 = arith.constant 0 : i32
      %dma_start3A_329 = tpu.memref_slice %arg3[%dma_start3A_327, %dma_start3A_328] : memref<100000x128xf32, #tpu.memory_space<hbm>> -> memref<100000x128xf32, #tpu.memory_space<hbm>>
      tpu.enqueue_indirect_dma source(%dma_start3A_329 : memref<100000x128xf32, #tpu.memory_space<hbm>>) target(%arg6 : memref<128x128xf32, #tpu.memory_space<vmem>>) offsets(%dma_start3A_326 : memref<128xi32, #tpu.memory_space<vmem>>) semaphore(%arg10 : memref<!tpu.dma_semaphore, #tpu.memory_space<semaphore_mem>>)
      %mul3A_330 = arith.constant 4 : i32
      %mul3A_331 = arith.muli %mul3A_330, %scan3A_274 : i32
      %add3A_332 = arith.constant 1 : i32
      %add3A_333 = arith.addi %mul3A_331, %add3A_332 : i32
      %sub3A_334 = arith.constant 4 : i32
      %sub3A_335 = arith.subi %add3A_333, %sub3A_334 : i32
      %add3A_336 = arith.constant 1 : i32
      %add3A_337 = arith.addi %sub3A_335, %add3A_336 : i32
      %dma_wait3A_338 = arith.constant 0 : i32
      %dma_wait3A_339 = tpu.memref_slice %arg5[%add3A_337, %dma_wait3A_338] : memref<50x128xi32, #tpu.memory_space<vmem>> -> memref<1x128xi32, #tpu.memory_space<vmem>>
      %dma_wait3A_340 = tpu.memref_squeeze %dma_wait3A_339 : memref<1x128xi32, #tpu.memory_space<vmem>> -> memref<128xi32, #tpu.memory_space<vmem>>
      %dma_wait3A_341 = arith.constant 0 : i32
      %dma_wait3A_342 = arith.constant 0 : i32
      %dma_wait3A_343 = tpu.memref_slice %arg3[%dma_wait3A_341, %dma_wait3A_342] : memref<100000x128xf32, #tpu.memory_space<hbm>> -> memref<100000x128xf32, #tpu.memory_space<hbm>>
      tpu.wait_indirect_dma semaphore(%arg12 : memref<!tpu.dma_semaphore, #tpu.memory_space<semaphore_mem>>) src(%dma_wait3A_343 : memref<100000x128xf32, #tpu.memory_space<hbm>>) dst(%arg8 : memref<128x128xf32, #tpu.memory_space<vmem>>)
      %sub3A_344 = arith.constant 4 : i32
      %sub3A_345 = arith.subi %add3A_333, %sub3A_344 : i32
      %add3A_346 = arith.constant 1 : i32
      %add3A_347 = arith.addi %sub3A_345, %add3A_346 : i32
      %mul3A_348 = arith.constant 4096 : i32
      %mul3A_349 = arith.muli %add3A_347, %mul3A_348 : i32
      %mul3A_350 = arith.constant 128 : i32
      %mul3A_351 = arith.muli %add3A, %mul3A_350 : i32
      %add3A_352 = arith.addi %mul3A_349, %mul3A_351 : i32
      %dma_start3A_353 = arith.constant 0 : i32
      %dma_start3A_354 = tpu.memref_slice %arg4[%add3A_352, %dma_start3A_353] : memref<204800x128xf32, #tpu.memory_space<hbm>> -> memref<128x128xf32, #tpu.memory_space<hbm>>
      %dma_start3A_355 = arith.constant 0 : i32
      %dma_start3A_356 = tpu.memref_slice %arg4[%add3A_352, %dma_start3A_355] : memref<204800x128xf32, #tpu.memory_space<hbm>> -> memref<128x128xf32, #tpu.memory_space<hbm>>
      tpu.enqueue_dma source(%arg8 : memref<128x128xf32, #tpu.memory_space<vmem>>) target(%dma_start3A_356 : memref<128x128xf32, #tpu.memory_space<hbm>>) target_semaphore(%arg16 : memref<!tpu.dma_semaphore, #tpu.memory_space<semaphore_mem>>)
      %sub3A_357 = arith.constant 4 : i32
      %sub3A_358 = arith.subi %add3A_333, %sub3A_357 : i32
      %mul3A_359 = arith.constant 4096 : i32
      %mul3A_360 = arith.muli %sub3A_358, %mul3A_359 : i32
      %mul3A_361 = arith.constant 128 : i32
      %mul3A_362 = arith.muli %add3A, %mul3A_361 : i32
      %add3A_363 = arith.addi %mul3A_360, %mul3A_362 : i32
      %dma_wait3A_364 = arith.constant 0 : i32
      %dma_wait3A_365 = tpu.memref_slice %arg4[%add3A_363, %dma_wait3A_364] : memref<204800x128xf32, #tpu.memory_space<hbm>> -> memref<128x128xf32, #tpu.memory_space<hbm>>
      %dma_wait3A_366 = arith.constant 0 : i32
      %dma_wait3A_367 = tpu.memref_slice %arg4[%add3A_363, %dma_wait3A_366] : memref<204800x128xf32, #tpu.memory_space<hbm>> -> memref<128x128xf32, #tpu.memory_space<hbm>>
      tpu.wait_dma2 semaphore(%arg15 : memref<!tpu.dma_semaphore, #tpu.memory_space<semaphore_mem>>) src(%arg7 : memref<128x128xf32, #tpu.memory_space<vmem>>) dst(%dma_wait3A_367 : memref<128x128xf32, #tpu.memory_space<hbm>>)
      %mul3A_368 = arith.constant 128 : i32
      %mul3A_369 = arith.muli %add3A, %mul3A_368 : i32
      %dma_wait3A_370 = arith.constant 0 : i32
      %dma_wait3A_371 = tpu.memref_slice %arg5[%add3A_333, %dma_wait3A_370] : memref<50x128xi32, #tpu.memory_space<vmem>> -> memref<1x128xi32, #tpu.memory_space<vmem>>
      %dma_wait3A_372 = tpu.memref_squeeze %dma_wait3A_371 : memref<1x128xi32, #tpu.memory_space<vmem>> -> memref<128xi32, #tpu.memory_space<vmem>>
      %dma_wait3A_373 = tpu.memref_slice %arg2[%add3A_333, %mul3A_369] : memref<50x4096xi32, #tpu.memory_space<hbm>> -> memref<1x128xi32, #tpu.memory_space<hbm>>
      %dma_wait3A_374 = tpu.memref_squeeze %dma_wait3A_373 : memref<1x128xi32, #tpu.memory_space<hbm>> -> memref<128xi32, #tpu.memory_space<hbm>>
      %dma_wait3A_375 = arith.constant 0 : i32
      %dma_wait3A_376 = tpu.memref_slice %arg5[%add3A_333, %dma_wait3A_375] : memref<50x128xi32, #tpu.memory_space<vmem>> -> memref<1x128xi32, #tpu.memory_space<vmem>>
      %dma_wait3A_377 = tpu.memref_squeeze %dma_wait3A_376 : memref<1x128xi32, #tpu.memory_space<vmem>> -> memref<128xi32, #tpu.memory_space<vmem>>
      %dma_wait3A_378 = tpu.memref_slice %arg2[%add3A_333, %mul3A_369] : memref<50x4096xi32, #tpu.memory_space<hbm>> -> memref<1x128xi32, #tpu.memory_space<hbm>>
      %dma_wait3A_379 = tpu.memref_squeeze %dma_wait3A_378 : memref<1x128xi32, #tpu.memory_space<hbm>> -> memref<128xi32, #tpu.memory_space<hbm>>
      tpu.wait_dma2 semaphore(%arg18 : memref<!tpu.dma_semaphore, #tpu.memory_space<semaphore_mem>>) src(%dma_wait3A_379 : memref<128xi32, #tpu.memory_space<hbm>>) dst(%dma_wait3A_377 : memref<128xi32, #tpu.memory_space<vmem>>)
      %dma_start3A_380 = arith.constant 0 : i32
      %dma_start3A_381 = tpu.memref_slice %arg5[%add3A_333, %dma_start3A_380] : memref<50x128xi32, #tpu.memory_space<vmem>> -> memref<1x128xi32, #tpu.memory_space<vmem>>
      %dma_start3A_382 = tpu.memref_squeeze %dma_start3A_381 : memref<1x128xi32, #tpu.memory_space<vmem>> -> memref<128xi32, #tpu.memory_space<vmem>>
      %dma_start3A_383 = arith.constant 0 : i32
      %dma_start3A_384 = arith.constant 0 : i32
      %dma_start3A_385 = tpu.memref_slice %arg3[%dma_start3A_383, %dma_start3A_384] : memref<100000x128xf32, #tpu.memory_space<hbm>> -> memref<100000x128xf32, #tpu.memory_space<hbm>>
      tpu.enqueue_indirect_dma source(%dma_start3A_385 : memref<100000x128xf32, #tpu.memory_space<hbm>>) target(%arg7 : memref<128x128xf32, #tpu.memory_space<vmem>>) offsets(%dma_start3A_382 : memref<128xi32, #tpu.memory_space<vmem>>) semaphore(%arg11 : memref<!tpu.dma_semaphore, #tpu.memory_space<semaphore_mem>>)
      %mul3A_386 = arith.constant 4 : i32
      %mul3A_387 = arith.muli %mul3A_386, %scan3A_274 : i32
      %add3A_388 = arith.constant 2 : i32
      %add3A_389 = arith.addi %mul3A_387, %add3A_388 : i32
      %sub3A_390 = arith.constant 4 : i32
      %sub3A_391 = arith.subi %add3A_389, %sub3A_390 : i32
      %add3A_392 = arith.constant 1 : i32
      %add3A_393 = arith.addi %sub3A_391, %add3A_392 : i32
      %dma_wait3A_394 = arith.constant 0 : i32
      %dma_wait3A_395 = tpu.memref_slice %arg5[%add3A_393, %dma_wait3A_394] : memref<50x128xi32, #tpu.memory_space<vmem>> -> memref<1x128xi32, #tpu.memory_space<vmem>>
      %dma_wait3A_396 = tpu.memref_squeeze %dma_wait3A_395 : memref<1x128xi32, #tpu.memory_space<vmem>> -> memref<128xi32, #tpu.memory_space<vmem>>
      %dma_wait3A_397 = arith.constant 0 : i32
      %dma_wait3A_398 = arith.constant 0 : i32
      %dma_wait3A_399 = tpu.memref_slice %arg3[%dma_wait3A_397, %dma_wait3A_398] : memref<100000x128xf32, #tpu.memory_space<hbm>> -> memref<100000x128xf32, #tpu.memory_space<hbm>>
      tpu.wait_indirect_dma semaphore(%arg13 : memref<!tpu.dma_semaphore, #tpu.memory_space<semaphore_mem>>) src(%dma_wait3A_399 : memref<100000x128xf32, #tpu.memory_space<hbm>>) dst(%arg9 : memref<128x128xf32, #tpu.memory_space<vmem>>)
      %sub3A_400 = arith.constant 4 : i32
      %sub3A_401 = arith.subi %add3A_389, %sub3A_400 : i32
      %add3A_402 = arith.constant 1 : i32
      %add3A_403 = arith.addi %sub3A_401, %add3A_402 : i32
      %mul3A_404 = arith.constant 4096 : i32
      %mul3A_405 = arith.muli %add3A_403, %mul3A_404 : i32
      %mul3A_406 = arith.constant 128 : i32
      %mul3A_407 = arith.muli %add3A, %mul3A_406 : i32
      %add3A_408 = arith.addi %mul3A_405, %mul3A_407 : i32
      %dma_start3A_409 = arith.constant 0 : i32
      %dma_start3A_410 = tpu.memref_slice %arg4[%add3A_408, %dma_start3A_409] : memref<204800x128xf32, #tpu.memory_space<hbm>> -> memref<128x128xf32, #tpu.memory_space<hbm>>
      %dma_start3A_411 = arith.constant 0 : i32
      %dma_start3A_412 = tpu.memref_slice %arg4[%add3A_408, %dma_start3A_411] : memref<204800x128xf32, #tpu.memory_space<hbm>> -> memref<128x128xf32, #tpu.memory_space<hbm>>
      tpu.enqueue_dma source(%arg9 : memref<128x128xf32, #tpu.memory_space<vmem>>) target(%dma_start3A_412 : memref<128x128xf32, #tpu.memory_space<hbm>>) target_semaphore(%arg17 : memref<!tpu.dma_semaphore, #tpu.memory_space<semaphore_mem>>)
      %sub3A_413 = arith.constant 4 : i32
      %sub3A_414 = arith.subi %add3A_389, %sub3A_413 : i32
      %mul3A_415 = arith.constant 4096 : i32
      %mul3A_416 = arith.muli %sub3A_414, %mul3A_415 : i32
      %mul3A_417 = arith.constant 128 : i32
      %mul3A_418 = arith.muli %add3A, %mul3A_417 : i32
      %add3A_419 = arith.addi %mul3A_416, %mul3A_418 : i32
      %dma_wait3A_420 = arith.constant 0 : i32
      %dma_wait3A_421 = tpu.memref_slice %arg4[%add3A_419, %dma_wait3A_420] : memref<204800x128xf32, #tpu.memory_space<hbm>> -> memref<128x128xf32, #tpu.memory_space<hbm>>
      %dma_wait3A_422 = arith.constant 0 : i32
      %dma_wait3A_423 = tpu.memref_slice %arg4[%add3A_419, %dma_wait3A_422] : memref<204800x128xf32, #tpu.memory_space<hbm>> -> memref<128x128xf32, #tpu.memory_space<hbm>>
      tpu.wait_dma2 semaphore(%arg16 : memref<!tpu.dma_semaphore, #tpu.memory_space<semaphore_mem>>) src(%arg8 : memref<128x128xf32, #tpu.memory_space<vmem>>) dst(%dma_wait3A_423 : memref<128x128xf32, #tpu.memory_space<hbm>>)
      %mul3A_424 = arith.constant 128 : i32
      %mul3A_425 = arith.muli %add3A, %mul3A_424 : i32
      %dma_wait3A_426 = arith.constant 0 : i32
      %dma_wait3A_427 = tpu.memref_slice %arg5[%add3A_389, %dma_wait3A_426] : memref<50x128xi32, #tpu.memory_space<vmem>> -> memref<1x128xi32, #tpu.memory_space<vmem>>
      %dma_wait3A_428 = tpu.memref_squeeze %dma_wait3A_427 : memref<1x128xi32, #tpu.memory_space<vmem>> -> memref<128xi32, #tpu.memory_space<vmem>>
      %dma_wait3A_429 = tpu.memref_slice %arg2[%add3A_389, %mul3A_425] : memref<50x4096xi32, #tpu.memory_space<hbm>> -> memref<1x128xi32, #tpu.memory_space<hbm>>
      %dma_wait3A_430 = tpu.memref_squeeze %dma_wait3A_429 : memref<1x128xi32, #tpu.memory_space<hbm>> -> memref<128xi32, #tpu.memory_space<hbm>>
      %dma_wait3A_431 = arith.constant 0 : i32
      %dma_wait3A_432 = tpu.memref_slice %arg5[%add3A_389, %dma_wait3A_431] : memref<50x128xi32, #tpu.memory_space<vmem>> -> memref<1x128xi32, #tpu.memory_space<vmem>>
      %dma_wait3A_433 = tpu.memref_squeeze %dma_wait3A_432 : memref<1x128xi32, #tpu.memory_space<vmem>> -> memref<128xi32, #tpu.memory_space<vmem>>
      %dma_wait3A_434 = tpu.memref_slice %arg2[%add3A_389, %mul3A_425] : memref<50x4096xi32, #tpu.memory_space<hbm>> -> memref<1x128xi32, #tpu.memory_space<hbm>>
      %dma_wait3A_435 = tpu.memref_squeeze %dma_wait3A_434 : memref<1x128xi32, #tpu.memory_space<hbm>> -> memref<128xi32, #tpu.memory_space<hbm>>
      tpu.wait_dma2 semaphore(%arg18 : memref<!tpu.dma_semaphore, #tpu.memory_space<semaphore_mem>>) src(%dma_wait3A_435 : memref<128xi32, #tpu.memory_space<hbm>>) dst(%dma_wait3A_433 : memref<128xi32, #tpu.memory_space<vmem>>)
      %dma_start3A_436 = arith.constant 0 : i32
      %dma_start3A_437 = tpu.memref_slice %arg5[%add3A_389, %dma_start3A_436] : memref<50x128xi32, #tpu.memory_space<vmem>> -> memref<1x128xi32, #tpu.memory_space<vmem>>
      %dma_start3A_438 = tpu.memref_squeeze %dma_start3A_437 : memref<1x128xi32, #tpu.memory_space<vmem>> -> memref<128xi32, #tpu.memory_space<vmem>>
      %dma_start3A_439 = arith.constant 0 : i32
      %dma_start3A_440 = arith.constant 0 : i32
      %dma_start3A_441 = tpu.memref_slice %arg3[%dma_start3A_439, %dma_start3A_440] : memref<100000x128xf32, #tpu.memory_space<hbm>> -> memref<100000x128xf32, #tpu.memory_space<hbm>>
      tpu.enqueue_indirect_dma source(%dma_start3A_441 : memref<100000x128xf32, #tpu.memory_space<hbm>>) target(%arg8 : memref<128x128xf32, #tpu.memory_space<vmem>>) offsets(%dma_start3A_438 : memref<128xi32, #tpu.memory_space<vmem>>) semaphore(%arg12 : memref<!tpu.dma_semaphore, #tpu.memory_space<semaphore_mem>>)
      %mul3A_442 = arith.constant 4 : i32
      %mul3A_443 = arith.muli %mul3A_442, %scan3A_274 : i32
      %add3A_444 = arith.constant 3 : i32
      %add3A_445 = arith.addi %mul3A_443, %add3A_444 : i32
      %sub3A_446 = arith.constant 4 : i32
      %sub3A_447 = arith.subi %add3A_445, %sub3A_446 : i32
      %add3A_448 = arith.constant 1 : i32
      %add3A_449 = arith.addi %sub3A_447, %add3A_448 : i32
      %dma_wait3A_450 = arith.constant 0 : i32
      %dma_wait3A_451 = tpu.memref_slice %arg5[%add3A_449, %dma_wait3A_450] : memref<50x128xi32, #tpu.memory_space<vmem>> -> memref<1x128xi32, #tpu.memory_space<vmem>>
      %dma_wait3A_452 = tpu.memref_squeeze %dma_wait3A_451 : memref<1x128xi32, #tpu.memory_space<vmem>> -> memref<128xi32, #tpu.memory_space<vmem>>
      %dma_wait3A_453 = arith.constant 0 : i32
      %dma_wait3A_454 = arith.constant 0 : i32
      %dma_wait3A_455 = tpu.memref_slice %arg3[%dma_wait3A_453, %dma_wait3A_454] : memref<100000x128xf32, #tpu.memory_space<hbm>> -> memref<100000x128xf32, #tpu.memory_space<hbm>>
      tpu.wait_indirect_dma semaphore(%arg10 : memref<!tpu.dma_semaphore, #tpu.memory_space<semaphore_mem>>) src(%dma_wait3A_455 : memref<100000x128xf32, #tpu.memory_space<hbm>>) dst(%arg6 : memref<128x128xf32, #tpu.memory_space<vmem>>)
      %sub3A_456 = arith.constant 4 : i32
      %sub3A_457 = arith.subi %add3A_445, %sub3A_456 : i32
      %add3A_458 = arith.constant 1 : i32
      %add3A_459 = arith.addi %sub3A_457, %add3A_458 : i32
      %mul3A_460 = arith.constant 4096 : i32
      %mul3A_461 = arith.muli %add3A_459, %mul3A_460 : i32
      %mul3A_462 = arith.constant 128 : i32
      %mul3A_463 = arith.muli %add3A, %mul3A_462 : i32
      %add3A_464 = arith.addi %mul3A_461, %mul3A_463 : i32
      %dma_start3A_465 = arith.constant 0 : i32
      %dma_start3A_466 = tpu.memref_slice %arg4[%add3A_464, %dma_start3A_465] : memref<204800x128xf32, #tpu.memory_space<hbm>> -> memref<128x128xf32, #tpu.memory_space<hbm>>
      %dma_start3A_467 = arith.constant 0 : i32
      %dma_start3A_468 = tpu.memref_slice %arg4[%add3A_464, %dma_start3A_467] : memref<204800x128xf32, #tpu.memory_space<hbm>> -> memref<128x128xf32, #tpu.memory_space<hbm>>
      tpu.enqueue_dma source(%arg6 : memref<128x128xf32, #tpu.memory_space<vmem>>) target(%dma_start3A_468 : memref<128x128xf32, #tpu.memory_space<hbm>>) target_semaphore(%arg14 : memref<!tpu.dma_semaphore, #tpu.memory_space<semaphore_mem>>)
      %sub3A_469 = arith.constant 4 : i32
      %sub3A_470 = arith.subi %add3A_445, %sub3A_469 : i32
      %mul3A_471 = arith.constant 4096 : i32
      %mul3A_472 = arith.muli %sub3A_470, %mul3A_471 : i32
      %mul3A_473 = arith.constant 128 : i32
      %mul3A_474 = arith.muli %add3A, %mul3A_473 : i32
      %add3A_475 = arith.addi %mul3A_472, %mul3A_474 : i32
      %dma_wait3A_476 = arith.constant 0 : i32
      %dma_wait3A_477 = tpu.memref_slice %arg4[%add3A_475, %dma_wait3A_476] : memref<204800x128xf32, #tpu.memory_space<hbm>> -> memref<128x128xf32, #tpu.memory_space<hbm>>
      %dma_wait3A_478 = arith.constant 0 : i32
      %dma_wait3A_479 = tpu.memref_slice %arg4[%add3A_475, %dma_wait3A_478] : memref<204800x128xf32, #tpu.memory_space<hbm>> -> memref<128x128xf32, #tpu.memory_space<hbm>>
      tpu.wait_dma2 semaphore(%arg17 : memref<!tpu.dma_semaphore, #tpu.memory_space<semaphore_mem>>) src(%arg9 : memref<128x128xf32, #tpu.memory_space<vmem>>) dst(%dma_wait3A_479 : memref<128x128xf32, #tpu.memory_space<hbm>>)
      %mul3A_480 = arith.constant 128 : i32
      %mul3A_481 = arith.muli %add3A, %mul3A_480 : i32
      %dma_wait3A_482 = arith.constant 0 : i32
      %dma_wait3A_483 = tpu.memref_slice %arg5[%add3A_445, %dma_wait3A_482] : memref<50x128xi32, #tpu.memory_space<vmem>> -> memref<1x128xi32, #tpu.memory_space<vmem>>
      %dma_wait3A_484 = tpu.memref_squeeze %dma_wait3A_483 : memref<1x128xi32, #tpu.memory_space<vmem>> -> memref<128xi32, #tpu.memory_space<vmem>>
      %dma_wait3A_485 = tpu.memref_slice %arg2[%add3A_445, %mul3A_481] : memref<50x4096xi32, #tpu.memory_space<hbm>> -> memref<1x128xi32, #tpu.memory_space<hbm>>
      %dma_wait3A_486 = tpu.memref_squeeze %dma_wait3A_485 : memref<1x128xi32, #tpu.memory_space<hbm>> -> memref<128xi32, #tpu.memory_space<hbm>>
      %dma_wait3A_487 = arith.constant 0 : i32
      %dma_wait3A_488 = tpu.memref_slice %arg5[%add3A_445, %dma_wait3A_487] : memref<50x128xi32, #tpu.memory_space<vmem>> -> memref<1x128xi32, #tpu.memory_space<vmem>>
      %dma_wait3A_489 = tpu.memref_squeeze %dma_wait3A_488 : memref<1x128xi32, #tpu.memory_space<vmem>> -> memref<128xi32, #tpu.memory_space<vmem>>
      %dma_wait3A_490 = tpu.memref_slice %arg2[%add3A_445, %mul3A_481] : memref<50x4096xi32, #tpu.memory_space<hbm>> -> memref<1x128xi32, #tpu.memory_space<hbm>>
      %dma_wait3A_491 = tpu.memref_squeeze %dma_wait3A_490 : memref<1x128xi32, #tpu.memory_space<hbm>> -> memref<128xi32, #tpu.memory_space<hbm>>
      tpu.wait_dma2 semaphore(%arg18 : memref<!tpu.dma_semaphore, #tpu.memory_space<semaphore_mem>>) src(%dma_wait3A_491 : memref<128xi32, #tpu.memory_space<hbm>>) dst(%dma_wait3A_489 : memref<128xi32, #tpu.memory_space<vmem>>)
      %dma_start3A_492 = arith.constant 0 : i32
      %dma_start3A_493 = tpu.memref_slice %arg5[%add3A_445, %dma_start3A_492] : memref<50x128xi32, #tpu.memory_space<vmem>> -> memref<1x128xi32, #tpu.memory_space<vmem>>
      %dma_start3A_494 = tpu.memref_squeeze %dma_start3A_493 : memref<1x128xi32, #tpu.memory_space<vmem>> -> memref<128xi32, #tpu.memory_space<vmem>>
      %dma_start3A_495 = arith.constant 0 : i32
      %dma_start3A_496 = arith.constant 0 : i32
      %dma_start3A_497 = tpu.memref_slice %arg3[%dma_start3A_495, %dma_start3A_496] : memref<100000x128xf32, #tpu.memory_space<hbm>> -> memref<100000x128xf32, #tpu.memory_space<hbm>>
      tpu.enqueue_indirect_dma source(%dma_start3A_497 : memref<100000x128xf32, #tpu.memory_space<hbm>>) target(%arg9 : memref<128x128xf32, #tpu.memory_space<vmem>>) offsets(%dma_start3A_494 : memref<128xi32, #tpu.memory_space<vmem>>) semaphore(%arg13 : memref<!tpu.dma_semaphore, #tpu.memory_space<semaphore_mem>>)
    }
    %scan3A_108 = arith.constant 11 : i32
    %dma_wait3A_109 = arith.constant 45 : i32
    %dma_wait3A_110 = arith.constant 0 : i32
    %dma_wait3A_111 = tpu.memref_slice %arg5[%dma_wait3A_109, %dma_wait3A_110] : memref<50x128xi32, #tpu.memory_space<vmem>> -> memref<1x128xi32, #tpu.memory_space<vmem>>
    %dma_wait3A_112 = tpu.memref_squeeze %dma_wait3A_111 : memref<1x128xi32, #tpu.memory_space<vmem>> -> memref<128xi32, #tpu.memory_space<vmem>>
    %dma_wait3A_113 = arith.constant 0 : i32
    %dma_wait3A_114 = arith.constant 0 : i32
    %dma_wait3A_115 = tpu.memref_slice %arg3[%dma_wait3A_113, %dma_wait3A_114] : memref<100000x128xf32, #tpu.memory_space<hbm>> -> memref<100000x128xf32, #tpu.memory_space<hbm>>
    tpu.wait_indirect_dma semaphore(%arg11 : memref<!tpu.dma_semaphore, #tpu.memory_space<semaphore_mem>>) src(%dma_wait3A_115 : memref<100000x128xf32, #tpu.memory_space<hbm>>) dst(%arg7 : memref<128x128xf32, #tpu.memory_space<vmem>>)
    %mul3A_116 = arith.constant 128 : i32
    %mul3A_117 = arith.muli %add3A, %mul3A_116 : i32
    %add3A_118 = arith.constant 184320 : i32
    %add3A_119 = arith.addi %add3A_118, %mul3A_117 : i32
    %dma_start3A_120 = arith.constant 0 : i32
    %dma_start3A_121 = tpu.memref_slice %arg4[%add3A_119, %dma_start3A_120] : memref<204800x128xf32, #tpu.memory_space<hbm>> -> memref<128x128xf32, #tpu.memory_space<hbm>>
    %dma_start3A_122 = arith.constant 0 : i32
    %dma_start3A_123 = tpu.memref_slice %arg4[%add3A_119, %dma_start3A_122] : memref<204800x128xf32, #tpu.memory_space<hbm>> -> memref<128x128xf32, #tpu.memory_space<hbm>>
    tpu.enqueue_dma source(%arg7 : memref<128x128xf32, #tpu.memory_space<vmem>>) target(%dma_start3A_123 : memref<128x128xf32, #tpu.memory_space<hbm>>) target_semaphore(%arg15 : memref<!tpu.dma_semaphore, #tpu.memory_space<semaphore_mem>>)
    %mul3A_124 = arith.constant 128 : i32
    %mul3A_125 = arith.muli %add3A, %mul3A_124 : i32
    %add3A_126 = arith.constant 180224 : i32
    %add3A_127 = arith.addi %add3A_126, %mul3A_125 : i32
    %dma_wait3A_128 = arith.constant 0 : i32
    %dma_wait3A_129 = tpu.memref_slice %arg4[%add3A_127, %dma_wait3A_128] : memref<204800x128xf32, #tpu.memory_space<hbm>> -> memref<128x128xf32, #tpu.memory_space<hbm>>
    %dma_wait3A_130 = arith.constant 0 : i32
    %dma_wait3A_131 = tpu.memref_slice %arg4[%add3A_127, %dma_wait3A_130] : memref<204800x128xf32, #tpu.memory_space<hbm>> -> memref<128x128xf32, #tpu.memory_space<hbm>>
    tpu.wait_dma2 semaphore(%arg14 : memref<!tpu.dma_semaphore, #tpu.memory_space<semaphore_mem>>) src(%arg6 : memref<128x128xf32, #tpu.memory_space<vmem>>) dst(%dma_wait3A_131 : memref<128x128xf32, #tpu.memory_space<hbm>>)
    %mul3A_132 = arith.constant 128 : i32
    %mul3A_133 = arith.muli %add3A, %mul3A_132 : i32
    %dma_wait3A_134 = arith.constant 48 : i32
    %dma_wait3A_135 = arith.constant 48 : i32
    %dma_wait3A_136 = arith.constant 0 : i32
    %dma_wait3A_137 = tpu.memref_slice %arg5[%dma_wait3A_135, %dma_wait3A_136] : memref<50x128xi32, #tpu.memory_space<vmem>> -> memref<1x128xi32, #tpu.memory_space<vmem>>
    %dma_wait3A_138 = tpu.memref_squeeze %dma_wait3A_137 : memref<1x128xi32, #tpu.memory_space<vmem>> -> memref<128xi32, #tpu.memory_space<vmem>>
    %dma_wait3A_139 = tpu.memref_slice %arg2[%dma_wait3A_134, %mul3A_133] : memref<50x4096xi32, #tpu.memory_space<hbm>> -> memref<1x128xi32, #tpu.memory_space<hbm>>
    %dma_wait3A_140 = tpu.memref_squeeze %dma_wait3A_139 : memref<1x128xi32, #tpu.memory_space<hbm>> -> memref<128xi32, #tpu.memory_space<hbm>>
    %dma_wait3A_141 = arith.constant 0 : i32
    %dma_wait3A_142 = tpu.memref_slice %arg5[%dma_wait3A_135, %dma_wait3A_141] : memref<50x128xi32, #tpu.memory_space<vmem>> -> memref<1x128xi32, #tpu.memory_space<vmem>>
    %dma_wait3A_143 = tpu.memref_squeeze %dma_wait3A_142 : memref<1x128xi32, #tpu.memory_space<vmem>> -> memref<128xi32, #tpu.memory_space<vmem>>
    %dma_wait3A_144 = tpu.memref_slice %arg2[%dma_wait3A_134, %mul3A_133] : memref<50x4096xi32, #tpu.memory_space<hbm>> -> memref<1x128xi32, #tpu.memory_space<hbm>>
    %dma_wait3A_145 = tpu.memref_squeeze %dma_wait3A_144 : memref<1x128xi32, #tpu.memory_space<hbm>> -> memref<128xi32, #tpu.memory_space<hbm>>
    tpu.wait_dma2 semaphore(%arg18 : memref<!tpu.dma_semaphore, #tpu.memory_space<semaphore_mem>>) src(%dma_wait3A_145 : memref<128xi32, #tpu.memory_space<hbm>>) dst(%dma_wait3A_143 : memref<128xi32, #tpu.memory_space<vmem>>)
    %dma_start3A_146 = arith.constant 48 : i32
    %dma_start3A_147 = arith.constant 0 : i32
    %dma_start3A_148 = tpu.memref_slice %arg5[%dma_start3A_146, %dma_start3A_147] : memref<50x128xi32, #tpu.memory_space<vmem>> -> memref<1x128xi32, #tpu.memory_space<vmem>>
    %dma_start3A_149 = tpu.memref_squeeze %dma_start3A_148 : memref<1x128xi32, #tpu.memory_space<vmem>> -> memref<128xi32, #tpu.memory_space<vmem>>
    %dma_start3A_150 = arith.constant 0 : i32
    %dma_start3A_151 = arith.constant 0 : i32
    %dma_start3A_152 = tpu.memref_slice %arg3[%dma_start3A_150, %dma_start3A_151] : memref<100000x128xf32, #tpu.memory_space<hbm>> -> memref<100000x128xf32, #tpu.memory_space<hbm>>
    tpu.enqueue_indirect_dma source(%dma_start3A_152 : memref<100000x128xf32, #tpu.memory_space<hbm>>) target(%arg6 : memref<128x128xf32, #tpu.memory_space<vmem>>) offsets(%dma_start3A_149 : memref<128xi32, #tpu.memory_space<vmem>>) semaphore(%arg10 : memref<!tpu.dma_semaphore, #tpu.memory_space<semaphore_mem>>)
    %dma_wait3A_153 = arith.constant 46 : i32
    %dma_wait3A_154 = arith.constant 0 : i32
    %dma_wait3A_155 = tpu.memref_slice %arg5[%dma_wait3A_153, %dma_wait3A_154] : memref<50x128xi32, #tpu.memory_space<vmem>> -> memref<1x128xi32, #tpu.memory_space<vmem>>
    %dma_wait3A_156 = tpu.memref_squeeze %dma_wait3A_155 : memref<1x128xi32, #tpu.memory_space<vmem>> -> memref<128xi32, #tpu.memory_space<vmem>>
    %dma_wait3A_157 = arith.constant 0 : i32
    %dma_wait3A_158 = arith.constant 0 : i32
    %dma_wait3A_159 = tpu.memref_slice %arg3[%dma_wait3A_157, %dma_wait3A_158] : memref<100000x128xf32, #tpu.memory_space<hbm>> -> memref<100000x128xf32, #tpu.memory_space<hbm>>
    tpu.wait_indirect_dma semaphore(%arg12 : memref<!tpu.dma_semaphore, #tpu.memory_space<semaphore_mem>>) src(%dma_wait3A_159 : memref<100000x128xf32, #tpu.memory_space<hbm>>) dst(%arg8 : memref<128x128xf32, #tpu.memory_space<vmem>>)
    %mul3A_160 = arith.constant 128 : i32
    %mul3A_161 = arith.muli %add3A, %mul3A_160 : i32
    %add3A_162 = arith.constant 188416 : i32
    %add3A_163 = arith.addi %add3A_162, %mul3A_161 : i32
    %dma_start3A_164 = arith.constant 0 : i32
    %dma_start3A_165 = tpu.memref_slice %arg4[%add3A_163, %dma_start3A_164] : memref<204800x128xf32, #tpu.memory_space<hbm>> -> memref<128x128xf32, #tpu.memory_space<hbm>>
    %dma_start3A_166 = arith.constant 0 : i32
    %dma_start3A_167 = tpu.memref_slice %arg4[%add3A_163, %dma_start3A_166] : memref<204800x128xf32, #tpu.memory_space<hbm>> -> memref<128x128xf32, #tpu.memory_space<hbm>>
    tpu.enqueue_dma source(%arg8 : memref<128x128xf32, #tpu.memory_space<vmem>>) target(%dma_start3A_167 : memref<128x128xf32, #tpu.memory_space<hbm>>) target_semaphore(%arg16 : memref<!tpu.dma_semaphore, #tpu.memory_space<semaphore_mem>>)
    %mul3A_168 = arith.constant 128 : i32
    %mul3A_169 = arith.muli %add3A, %mul3A_168 : i32
    %add3A_170 = arith.constant 184320 : i32
    %add3A_171 = arith.addi %add3A_170, %mul3A_169 : i32
    %dma_wait3A_172 = arith.constant 0 : i32
    %dma_wait3A_173 = tpu.memref_slice %arg4[%add3A_171, %dma_wait3A_172] : memref<204800x128xf32, #tpu.memory_space<hbm>> -> memref<128x128xf32, #tpu.memory_space<hbm>>
    %dma_wait3A_174 = arith.constant 0 : i32
    %dma_wait3A_175 = tpu.memref_slice %arg4[%add3A_171, %dma_wait3A_174] : memref<204800x128xf32, #tpu.memory_space<hbm>> -> memref<128x128xf32, #tpu.memory_space<hbm>>
    tpu.wait_dma2 semaphore(%arg15 : memref<!tpu.dma_semaphore, #tpu.memory_space<semaphore_mem>>) src(%arg7 : memref<128x128xf32, #tpu.memory_space<vmem>>) dst(%dma_wait3A_175 : memref<128x128xf32, #tpu.memory_space<hbm>>)
    %mul3A_176 = arith.constant 128 : i32
    %mul3A_177 = arith.muli %add3A, %mul3A_176 : i32
    %dma_wait3A_178 = arith.constant 49 : i32
    %dma_wait3A_179 = arith.constant 49 : i32
    %dma_wait3A_180 = arith.constant 0 : i32
    %dma_wait3A_181 = tpu.memref_slice %arg5[%dma_wait3A_179, %dma_wait3A_180] : memref<50x128xi32, #tpu.memory_space<vmem>> -> memref<1x128xi32, #tpu.memory_space<vmem>>
    %dma_wait3A_182 = tpu.memref_squeeze %dma_wait3A_181 : memref<1x128xi32, #tpu.memory_space<vmem>> -> memref<128xi32, #tpu.memory_space<vmem>>
    %dma_wait3A_183 = tpu.memref_slice %arg2[%dma_wait3A_178, %mul3A_177] : memref<50x4096xi32, #tpu.memory_space<hbm>> -> memref<1x128xi32, #tpu.memory_space<hbm>>
    %dma_wait3A_184 = tpu.memref_squeeze %dma_wait3A_183 : memref<1x128xi32, #tpu.memory_space<hbm>> -> memref<128xi32, #tpu.memory_space<hbm>>
    %dma_wait3A_185 = arith.constant 0 : i32
    %dma_wait3A_186 = tpu.memref_slice %arg5[%dma_wait3A_179, %dma_wait3A_185] : memref<50x128xi32, #tpu.memory_space<vmem>> -> memref<1x128xi32, #tpu.memory_space<vmem>>
    %dma_wait3A_187 = tpu.memref_squeeze %dma_wait3A_186 : memref<1x128xi32, #tpu.memory_space<vmem>> -> memref<128xi32, #tpu.memory_space<vmem>>
    %dma_wait3A_188 = tpu.memref_slice %arg2[%dma_wait3A_178, %mul3A_177] : memref<50x4096xi32, #tpu.memory_space<hbm>> -> memref<1x128xi32, #tpu.memory_space<hbm>>
    %dma_wait3A_189 = tpu.memref_squeeze %dma_wait3A_188 : memref<1x128xi32, #tpu.memory_space<hbm>> -> memref<128xi32, #tpu.memory_space<hbm>>
    tpu.wait_dma2 semaphore(%arg18 : memref<!tpu.dma_semaphore, #tpu.memory_space<semaphore_mem>>) src(%dma_wait3A_189 : memref<128xi32, #tpu.memory_space<hbm>>) dst(%dma_wait3A_187 : memref<128xi32, #tpu.memory_space<vmem>>)
    %dma_start3A_190 = arith.constant 49 : i32
    %dma_start3A_191 = arith.constant 0 : i32
    %dma_start3A_192 = tpu.memref_slice %arg5[%dma_start3A_190, %dma_start3A_191] : memref<50x128xi32, #tpu.memory_space<vmem>> -> memref<1x128xi32, #tpu.memory_space<vmem>>
    %dma_start3A_193 = tpu.memref_squeeze %dma_start3A_192 : memref<1x128xi32, #tpu.memory_space<vmem>> -> memref<128xi32, #tpu.memory_space<vmem>>
    %dma_start3A_194 = arith.constant 0 : i32
    %dma_start3A_195 = arith.constant 0 : i32
    %dma_start3A_196 = tpu.memref_slice %arg3[%dma_start3A_194, %dma_start3A_195] : memref<100000x128xf32, #tpu.memory_space<hbm>> -> memref<100000x128xf32, #tpu.memory_space<hbm>>
    tpu.enqueue_indirect_dma source(%dma_start3A_196 : memref<100000x128xf32, #tpu.memory_space<hbm>>) target(%arg7 : memref<128x128xf32, #tpu.memory_space<vmem>>) offsets(%dma_start3A_193 : memref<128xi32, #tpu.memory_space<vmem>>) semaphore(%arg11 : memref<!tpu.dma_semaphore, #tpu.memory_space<semaphore_mem>>)
    %dma_wait3A_197 = arith.constant 47 : i32
    %dma_wait3A_198 = arith.constant 0 : i32
    %dma_wait3A_199 = tpu.memref_slice %arg5[%dma_wait3A_197, %dma_wait3A_198] : memref<50x128xi32, #tpu.memory_space<vmem>> -> memref<1x128xi32, #tpu.memory_space<vmem>>
    %dma_wait3A_200 = tpu.memref_squeeze %dma_wait3A_199 : memref<1x128xi32, #tpu.memory_space<vmem>> -> memref<128xi32, #tpu.memory_space<vmem>>
    %dma_wait3A_201 = arith.constant 0 : i32
    %dma_wait3A_202 = arith.constant 0 : i32
    %dma_wait3A_203 = tpu.memref_slice %arg3[%dma_wait3A_201, %dma_wait3A_202] : memref<100000x128xf32, #tpu.memory_space<hbm>> -> memref<100000x128xf32, #tpu.memory_space<hbm>>
    tpu.wait_indirect_dma semaphore(%arg13 : memref<!tpu.dma_semaphore, #tpu.memory_space<semaphore_mem>>) src(%dma_wait3A_203 : memref<100000x128xf32, #tpu.memory_space<hbm>>) dst(%arg9 : memref<128x128xf32, #tpu.memory_space<vmem>>)
    %mul3A_204 = arith.constant 128 : i32
    %mul3A_205 = arith.muli %add3A, %mul3A_204 : i32
    %add3A_206 = arith.constant 192512 : i32
    %add3A_207 = arith.addi %add3A_206, %mul3A_205 : i32
    %dma_start3A_208 = arith.constant 0 : i32
    %dma_start3A_209 = tpu.memref_slice %arg4[%add3A_207, %dma_start3A_208] : memref<204800x128xf32, #tpu.memory_space<hbm>> -> memref<128x128xf32, #tpu.memory_space<hbm>>
    %dma_start3A_210 = arith.constant 0 : i32
    %dma_start3A_211 = tpu.memref_slice %arg4[%add3A_207, %dma_start3A_210] : memref<204800x128xf32, #tpu.memory_space<hbm>> -> memref<128x128xf32, #tpu.memory_space<hbm>>
    tpu.enqueue_dma source(%arg9 : memref<128x128xf32, #tpu.memory_space<vmem>>) target(%dma_start3A_211 : memref<128x128xf32, #tpu.memory_space<hbm>>) target_semaphore(%arg17 : memref<!tpu.dma_semaphore, #tpu.memory_space<semaphore_mem>>)
    %mul3A_212 = arith.constant 128 : i32
    %mul3A_213 = arith.muli %add3A, %mul3A_212 : i32
    %add3A_214 = arith.constant 188416 : i32
    %add3A_215 = arith.addi %add3A_214, %mul3A_213 : i32
    %dma_wait3A_216 = arith.constant 0 : i32
    %dma_wait3A_217 = tpu.memref_slice %arg4[%add3A_215, %dma_wait3A_216] : memref<204800x128xf32, #tpu.memory_space<hbm>> -> memref<128x128xf32, #tpu.memory_space<hbm>>
    %dma_wait3A_218 = arith.constant 0 : i32
    %dma_wait3A_219 = tpu.memref_slice %arg4[%add3A_215, %dma_wait3A_218] : memref<204800x128xf32, #tpu.memory_space<hbm>> -> memref<128x128xf32, #tpu.memory_space<hbm>>
    tpu.wait_dma2 semaphore(%arg16 : memref<!tpu.dma_semaphore, #tpu.memory_space<semaphore_mem>>) src(%arg8 : memref<128x128xf32, #tpu.memory_space<vmem>>) dst(%dma_wait3A_219 : memref<128x128xf32, #tpu.memory_space<hbm>>)
    %dma_wait3A_220 = arith.constant 48 : i32
    %dma_wait3A_221 = arith.constant 0 : i32
    %dma_wait3A_222 = tpu.memref_slice %arg5[%dma_wait3A_220, %dma_wait3A_221] : memref<50x128xi32, #tpu.memory_space<vmem>> -> memref<1x128xi32, #tpu.memory_space<vmem>>
    %dma_wait3A_223 = tpu.memref_squeeze %dma_wait3A_222 : memref<1x128xi32, #tpu.memory_space<vmem>> -> memref<128xi32, #tpu.memory_space<vmem>>
    %dma_wait3A_224 = arith.constant 0 : i32
    %dma_wait3A_225 = arith.constant 0 : i32
    %dma_wait3A_226 = tpu.memref_slice %arg3[%dma_wait3A_224, %dma_wait3A_225] : memref<100000x128xf32, #tpu.memory_space<hbm>> -> memref<100000x128xf32, #tpu.memory_space<hbm>>
    tpu.wait_indirect_dma semaphore(%arg10 : memref<!tpu.dma_semaphore, #tpu.memory_space<semaphore_mem>>) src(%dma_wait3A_226 : memref<100000x128xf32, #tpu.memory_space<hbm>>) dst(%arg6 : memref<128x128xf32, #tpu.memory_space<vmem>>)
    %mul3A_227 = arith.constant 128 : i32
    %mul3A_228 = arith.muli %add3A, %mul3A_227 : i32
    %add3A_229 = arith.constant 196608 : i32
    %add3A_230 = arith.addi %add3A_229, %mul3A_228 : i32
    %dma_start3A_231 = arith.constant 0 : i32
    %dma_start3A_232 = tpu.memref_slice %arg4[%add3A_230, %dma_start3A_231] : memref<204800x128xf32, #tpu.memory_space<hbm>> -> memref<128x128xf32, #tpu.memory_space<hbm>>
    %dma_start3A_233 = arith.constant 0 : i32
    %dma_start3A_234 = tpu.memref_slice %arg4[%add3A_230, %dma_start3A_233] : memref<204800x128xf32, #tpu.memory_space<hbm>> -> memref<128x128xf32, #tpu.memory_space<hbm>>
    tpu.enqueue_dma source(%arg6 : memref<128x128xf32, #tpu.memory_space<vmem>>) target(%dma_start3A_234 : memref<128x128xf32, #tpu.memory_space<hbm>>) target_semaphore(%arg14 : memref<!tpu.dma_semaphore, #tpu.memory_space<semaphore_mem>>)
    %mul3A_235 = arith.constant 128 : i32
    %mul3A_236 = arith.muli %add3A, %mul3A_235 : i32
    %add3A_237 = arith.constant 192512 : i32
    %add3A_238 = arith.addi %add3A_237, %mul3A_236 : i32
    %dma_wait3A_239 = arith.constant 0 : i32
    %dma_wait3A_240 = tpu.memref_slice %arg4[%add3A_238, %dma_wait3A_239] : memref<204800x128xf32, #tpu.memory_space<hbm>> -> memref<128x128xf32, #tpu.memory_space<hbm>>
    %dma_wait3A_241 = arith.constant 0 : i32
    %dma_wait3A_242 = tpu.memref_slice %arg4[%add3A_238, %dma_wait3A_241] : memref<204800x128xf32, #tpu.memory_space<hbm>> -> memref<128x128xf32, #tpu.memory_space<hbm>>
    tpu.wait_dma2 semaphore(%arg17 : memref<!tpu.dma_semaphore, #tpu.memory_space<semaphore_mem>>) src(%arg9 : memref<128x128xf32, #tpu.memory_space<vmem>>) dst(%dma_wait3A_242 : memref<128x128xf32, #tpu.memory_space<hbm>>)
    %dma_wait3A_243 = arith.constant 49 : i32
    %dma_wait3A_244 = arith.constant 0 : i32
    %dma_wait3A_245 = tpu.memref_slice %arg5[%dma_wait3A_243, %dma_wait3A_244] : memref<50x128xi32, #tpu.memory_space<vmem>> -> memref<1x128xi32, #tpu.memory_space<vmem>>
    %dma_wait3A_246 = tpu.memref_squeeze %dma_wait3A_245 : memref<1x128xi32, #tpu.memory_space<vmem>> -> memref<128xi32, #tpu.memory_space<vmem>>
    %dma_wait3A_247 = arith.constant 0 : i32
    %dma_wait3A_248 = arith.constant 0 : i32
    %dma_wait3A_249 = tpu.memref_slice %arg3[%dma_wait3A_247, %dma_wait3A_248] : memref<100000x128xf32, #tpu.memory_space<hbm>> -> memref<100000x128xf32, #tpu.memory_space<hbm>>
    tpu.wait_indirect_dma semaphore(%arg11 : memref<!tpu.dma_semaphore, #tpu.memory_space<semaphore_mem>>) src(%dma_wait3A_249 : memref<100000x128xf32, #tpu.memory_space<hbm>>) dst(%arg7 : memref<128x128xf32, #tpu.memory_space<vmem>>)
    %mul3A_250 = arith.constant 128 : i32
    %mul3A_251 = arith.muli %add3A, %mul3A_250 : i32
    %add3A_252 = arith.constant 200704 : i32
    %add3A_253 = arith.addi %add3A_252, %mul3A_251 : i32
    %dma_start3A_254 = arith.constant 0 : i32
    %dma_start3A_255 = tpu.memref_slice %arg4[%add3A_253, %dma_start3A_254] : memref<204800x128xf32, #tpu.memory_space<hbm>> -> memref<128x128xf32, #tpu.memory_space<hbm>>
    %dma_start3A_256 = arith.constant 0 : i32
    %dma_start3A_257 = tpu.memref_slice %arg4[%add3A_253, %dma_start3A_256] : memref<204800x128xf32, #tpu.memory_space<hbm>> -> memref<128x128xf32, #tpu.memory_space<hbm>>
    tpu.enqueue_dma source(%arg7 : memref<128x128xf32, #tpu.memory_space<vmem>>) target(%dma_start3A_257 : memref<128x128xf32, #tpu.memory_space<hbm>>) target_semaphore(%arg15 : memref<!tpu.dma_semaphore, #tpu.memory_space<semaphore_mem>>)
    %mul3A_258 = arith.constant 128 : i32
    %mul3A_259 = arith.muli %add3A, %mul3A_258 : i32
    %add3A_260 = arith.constant 196608 : i32
    %add3A_261 = arith.addi %add3A_260, %mul3A_259 : i32
    %dma_wait3A_262 = arith.constant 0 : i32
    %dma_wait3A_263 = tpu.memref_slice %arg4[%add3A_261, %dma_wait3A_262] : memref<204800x128xf32, #tpu.memory_space<hbm>> -> memref<128x128xf32, #tpu.memory_space<hbm>>
    %dma_wait3A_264 = arith.constant 0 : i32
    %dma_wait3A_265 = tpu.memref_slice %arg4[%add3A_261, %dma_wait3A_264] : memref<204800x128xf32, #tpu.memory_space<hbm>> -> memref<128x128xf32, #tpu.memory_space<hbm>>
    tpu.wait_dma2 semaphore(%arg14 : memref<!tpu.dma_semaphore, #tpu.memory_space<semaphore_mem>>) src(%arg6 : memref<128x128xf32, #tpu.memory_space<vmem>>) dst(%dma_wait3A_265 : memref<128x128xf32, #tpu.memory_space<hbm>>)
    %mul3A_266 = arith.constant 128 : i32
    %mul3A_267 = arith.muli %add3A, %mul3A_266 : i32
    %add3A_268 = arith.constant 200704 : i32
    %add3A_269 = arith.addi %add3A_268, %mul3A_267 : i32
    %dma_wait3A_270 = arith.constant 0 : i32
    %dma_wait3A_271 = tpu.memref_slice %arg4[%add3A_269, %dma_wait3A_270] : memref<204800x128xf32, #tpu.memory_space<hbm>> -> memref<128x128xf32, #tpu.memory_space<hbm>>
    %dma_wait3A_272 = arith.constant 0 : i32
    %dma_wait3A_273 = tpu.memref_slice %arg4[%add3A_269, %dma_wait3A_272] : memref<204800x128xf32, #tpu.memory_space<hbm>> -> memref<128x128xf32, #tpu.memory_space<hbm>>
    tpu.wait_dma2 semaphore(%arg15 : memref<!tpu.dma_semaphore, #tpu.memory_space<semaphore_mem>>) src(%arg7 : memref<128x128xf32, #tpu.memory_space<vmem>>) dst(%dma_wait3A_273 : memref<128x128xf32, #tpu.memory_space<hbm>>)
    return
  }
}

</mosaic_0001>

<sc_bundles>
// kernel: _gather_rows.3.cloned.1.call-start
scs
__scs_entry_jumppad:
0x0: {  	(pc) =	sbr.rel $0x88, $3  }
0x1: {  	(tag) =	ssettag $0x0;
	lr =	simm.s32 $0x1  }
0x2: {  	[smem:$0x3F9F] =	sst lr;
	_ =	strace $0xD0000000  }
0x3: {  	_ = 	snop  }
0x4: {  	_ = 	snop  }
0x5: {  	_ = 	snop  }
0x6: {  	_ = 	snop  }
0x7: {  	_ = 	snop  }
__scs_overlays_trampoline_lowered:
0x8: {  	[smem:$0x3FAE] =	sst s0  }
0x9: {  	[smem:$0x3FAF] =	sst s1  }
0xa: {  	[smem:$0x3FB0] =	sst s2  }
0xb: {  	[smem:$0x3FB1] =	sst s3  }
0xc: {  	[smem:$0x3FB2] =	sst s4  }
0xd: {  	[smem:$0x3FB3] =	sst s5  }
0xe: {  	[smem:$0x3FB4] =	sst s6  }
0xf: {  	[smem:$0x3FB5] =	sst s7  }
0x10: {  	[smem:$0x3FB6] =	sst s8  }
0x11: {  	[smem:$0x3FB7] =	sst s9;
	s0 =	simm.s32 @!p0 $0x0  }
0x12: {  	s1 =	sld [smem:$0x3F9D];
	s0 =	simm.s32 @p0 $0x1  }
0x13: {  	[smem:$0x3FB8] =	sst s0;
	s0 =	simm.s32 @!p1 $0x0  }
0x14: {  	s2 =	sld [smem:$0x3F9C];
	s0 =	simm.s32 @p1 $0x1  }
0x15: {  	[smem:$0x3FB9] =	sst s0;
	s0 =	simm.s32 @!p2 $0x0  }
0x16: {  	s3 =	sld [smem:$0x3FDB];
	s0 =	simm.s32 @p2 $0x1  }
0x17: {  	s4 =	simm.s32 $0x1BF5;
	[smem:$0x3FBB] =	sst s0  }
0x18: {  	s0 =	sld [smem:$0x3F9E];
	_ =	swait.ge [sflag:s4], $0x0  }
0x19: {  	s7 =	sld [smem:$0x3F9F]  }
0x1a: {  	s8 =	sadd.s32 $0xFFFFE003, lr  }
0x1b: {  	s9 =	sadd.s32 $0xFFFFFEF7, lr;
	s5 =	simm.s32 $0xFFFFFFFF;
	p2 =	slt.u32 s8, $0xFFFFF086  }
0x1c: {  	p1 =	slt.u32 s9, $0xF7A;
	s5 =	simm.s32 @!p2 $0x0  }
0x1d: {  	s5 =	simm.s32 @p1 $0x1;
	p0 =	seq.s32 s7, s2  }
0x1e: {  	s7 =	smul.u32 @!p0 $0xF7A, s2;
	p2 =	seq.s32 @!p0 s5, $0x0  }
0x1f: {  	s9 =	smul.u32 $0xF7A, s1;
	s8 =	simm.s32 @!p0 $0x1BF5;
	p2 =	por !p2, p0  }
0x20: {  	[sflag:s8] =	ssyncset.s32 @!p0 $0xFFFFF086;
	s6 =	sadd.s32 @!p0 s3, s7;
	s7 =	simm.s32 @!p0 $0x108  }
0x21: {  	s3 =	sadd.s32 s3, s9;
	s6 =	sadd.s32 @!p0 $0x88, s6;
	s7 =	simm.s32 @p2 $0x1082  }
0x22: {  	[simem:s7], [sflag:s8] =	dma.local @!p0 [hbm:s6], $0xF7A  }
0x23: {  	s9 =	sor.u32 $0xD0000000, s2;
	s6 =	simm.s32 $0x108;
	_ =	swait.ge @!p0 [sflag:s8], $0x0  }
0x24: {  	s3 =	sadd.s32 $0x88, s3;
	s6 =	simm.s32 @!p1 $0x1082;
	[sflag:s4] =	ssyncset.s32 $0xFFFFF086  }
0x25: {  	[simem:s6], [sflag:s4] =	dma.local [hbm:s3], $0xF7A  }
0x26: {  	[smem:$0x3F9F] =	sst s1;
	(tag) =	ssettag s2;
	_ =	strace s9  }
0x27: {  	s1 =	sld [smem:$0x3FAF]  }
0x28: {  	s2 =	sld [smem:$0x3FB0]  }
0x29: {  	s4 =	sld [smem:$0x3FB2]  }
0x2a: {  	p0 =	seq.s32 s5, $0x0;
	s5 =	sld [smem:$0x3FB3]  }
0x2b: {  	s6 =	sld [smem:$0x3FB4]  }
0x2c: {  	s7 =	sld [smem:$0x3FB5]  }
0x2d: {  	s3 =	simm.s32 $0x108;
	s8 =	sld [smem:$0x3FB6]  }
0x2e: {  	s3 =	simm.s32 @!p0 $0x1082;
	s9 =	sld [smem:$0x3FB7]  }
0x2f: {  	lr =	sadd.s32 s0, s3;
	s0 =	sld [smem:$0x3FAE]  }
0x30: {  	s3 =	sld [smem:$0x3FB1]  }
0x31: {  	[smem:$0x3FBA] =	sst s10  }
0x32: {  	s10 =	sld [smem:$0x3FB8];
	_ =	sdelay $0x3  }
0x33: {  	p0 =	seq.s32 s10, $0x1;
	s10 =	sld [smem:$0x3FBA];
	_ =	sdelay $0x3  }
0x34: {  	[smem:$0x3FBA] =	sst s10  }
0x35: {  	s10 =	sld [smem:$0x3FB9];
	_ =	sdelay $0x3  }
0x36: {  	p1 =	seq.s32 s10, $0x1;
	s10 =	sld [smem:$0x3FBA];
	_ =	sdelay $0x3  }
0x37: {  	[smem:$0x3FBA] =	sst s10  }
0x38: {  	s10 =	sld [smem:$0x3FBB]  }
0x39: {  	_ = 	snop;
	(pc) =	sbr.ind lr, $3  }
0x3a: {  	_ = 	snop  }
0x3b: {  	_ = 	snop  }
0x3c: {  	p2 =	seq.s32 s10, $0x1;
	s10 =	sld [smem:$0x3FBA]  }
0x3d: {  	_ =	shalt  }
0x3e: {  	_ =	shalt  }
0x3f: {  	_ =	shalt  }
0x40: {  	_ =	shalt  }
0x41: {  	_ =	shalt  }
0x42: {  	_ =	shalt  }
0x43: {  	_ =	shalt  }
0x44: {  	_ =	shalt  }
0x45: {  	_ =	shalt  }
0x46: {  	_ =	shalt  }
0x47: {  	_ =	shalt  }
0x48: {  	_ =	shalt  }
0x49: {  	_ =	shalt  }
0x4a: {  	_ =	shalt  }
0x4b: {  	_ =	shalt  }
0x4c: {  	_ =	shalt  }
0x4d: {  	_ =	shalt  }
0x4e: {  	_ =	shalt  }
0x4f: {  	_ =	shalt  }
0x50: {  	_ =	shalt  }
0x51: {  	_ =	shalt  }
0x52: {  	_ =	shalt  }
0x53: {  	_ =	shalt  }
0x54: {  	_ =	shalt  }
0x55: {  	_ =	shalt  }
0x56: {  	_ =	shalt  }
0x57: {  	_ =	shalt  }
0x58: {  	_ =	shalt  }
0x59: {  	_ =	shalt  }
0x5a: {  	_ =	shalt  }
0x5b: {  	_ =	shalt  }
0x5c: {  	_ =	shalt  }
0x5d: {  	_ =	shalt  }
0x5e: {  	_ =	shalt  }
0x5f: {  	_ =	shalt  }
0x60: {  	_ =	shalt  }
0x61: {  	_ =	shalt  }
0x62: {  	_ =	shalt  }
0x63: {  	_ =	shalt  }
0x64: {  	_ =	shalt  }
0x65: {  	_ =	shalt  }
0x66: {  	_ =	shalt  }
0x67: {  	_ =	shalt  }
0x68: {  	_ =	shalt  }
0x69: {  	_ =	shalt  }
0x6a: {  	_ =	shalt  }
0x6b: {  	_ =	shalt  }
0x6c: {  	_ =	shalt  }
0x6d: {  	_ =	shalt  }
0x6e: {  	_ =	shalt  }
0x6f: {  	_ =	shalt  }
0x70: {  	_ =	shalt  }
0x71: {  	_ =	shalt  }
0x72: {  	_ =	shalt  }
0x73: {  	_ =	shalt  }
0x74: {  	_ =	shalt  }
0x75: {  	_ =	shalt  }
0x76: {  	_ =	shalt  }
0x77: {  	_ =	shalt  }
0x78: {  	_ =	shalt  }
0x79: {  	_ =	shalt  }
0x7a: {  	_ =	shalt  }
0x7b: {  	_ =	shalt  }
0x7c: {  	_ =	shalt  }
0x7d: {  	_ =	shalt  }
0x7e: {  	_ =	shalt  }
0x7f: {  	_ =	shalt  }
0x80: {  	_ =	shalt  }
0x81: {  	_ =	shalt  }
0x82: {  	_ =	shalt  }
0x83: {  	_ =	shalt  }
0x84: {  	_ =	shalt  }
0x85: {  	_ =	shalt  }
0x86: {  	_ =	shalt  }
0x87: {  	_ =	shalt  }
.Lfunc_end0:
.L_simem_size_0:
called_computation_lowered:
.L_overlay_start_0:
0x88: {  	s2 =	sld [smem:$0x3FD9]  }
0x89: {  	s3 =	sld [smem:$0x3FFE];
	_ =	sdelay $0x1  }
0x8a: {  	s1 =	srdreg.scid  }
0x8b: {  	s0 =	sand.u32 $0x1, s1  }
0x8c: {  	s18 =	sshll.u32 s0, $0xA;
	s2 =	sadd.s32 s3, s2  }
0x8d: {  	s2 =	sadd.s32 s2, s18  }
0x8e: {  	[smem:$0x3FC6] =	sst s2  }
0x8f: {  	_ = 	snop  }
0x90: {  	s2 =	sld [smem:$0x3FC9]  }
0x91: {  	s19 =	sld [smem:$0x3FC8]  }
0x92: {  	s4 =	sld [smem:$0x3FD0];
	(tm) =	ssettm $0x1  }
0x93: {  	s5 =	sld [smem:$0x3FFB];
	_ =	sdelay $0x3  }
0x94: {  	_ =	strace s5  }
0x95: {  	s5 =	sld [smem:$0x3FFC];
	_ =	sdelay $0x3  }
0x96: {  	_ =	strace s5  }
0x97: {  	s5 =	sld [smem:$0x3FFD];
	_ =	sdelay $0x3  }
0x98: {  	_ =	strace s5  }
0x99: {  	_ =	strace $0x8FFFFFFF  }
0x9a: {  	s20 =	sld [smem:$0x3FDB];
	_ =	sdelay $0x1  }
0x9b: {  	s6 =	simm.s32 $_scs_section_size  }
0x9c: {  	s7 =	simm.s32 $_size__tile_overlayer_lowered;
	s8 =	simm.s32 $_tile_overlayer_lowered  }
0x9d: {  	s23 =	simm.s32 $0x1BFF;
	s22 =	sshll.u32 s8, $0x1;
	s5 =	sadd.s32 s6, s20  }
0x9e: {  	s9 =	simm.s32 $0x0;
	s21 =	sshll.u32 s7, $0x1;
	s7 =	sadd.s32 s22, s5  }
0x9f: {  	[timem:s9], [sflag:s23] =	dma.local [hbm:s7], s21  }
0xa0: {  	_ =	swait.ge [sflag:s23], s21  }
0xa1: {  	s6 =	ssub.s32 $0x0, s21;
	[sflag:s23] =	ssyncset.done $0x0  }
0xa2: {  	[sflag:s23] =	ssyncadd.s32 s6;
	_ =	sdelay $0x1  }
0xa3: {  	s24 =	simm.s32 $0x1B8B  }
0xa4: {  	_ =	swait.ge [sflag:s24], $0x1  }
0xa5: {  	[sflag:s24] =	ssyncset.done $0x0  }
0xa6: {  	s25 =	simm.s32 $0x1B8E;
	[sflag:s24] =	ssyncadd.s32 $0xFFFFFFFF  }
0xa7: {  	s26 =	simm.s32 $execute0_lowered;
	[smem:$0x3FD2] =	sst s25  }
0xa8: {  	s6 =	sshll.u32 s26, $0x1;
	_ =	strace $0x80000046;
	[dreg:$0x1] =	wrdreg $0xFFFFFFFF  }
0xa9: {  	s28 =	simm.s32 $_size_execute0_lowered;
	s5 =	sadd.s32 s5, s6;
	[dreg:$0x0] =	wrdreg $0x0  }
0xaa: {  	s6 =	sshll.u32 s28, $0x1;
	[dreg:$0x2] =	wrdreg s5  }
0xab: {  	[dreg:$0x3] =	wrdreg s6  }
0xac: {  	[dreg:$0x4] =	wrdreg $0xC0  }
0xad: {  	_ =	task [dreg:s9], $0x5FFFF  }
0xae: {  	[dreg:$0x1] =	wrdreg $0xFFFFFFFF  }
0xaf: {  	[dreg:$0x0] =	wrdreg $0x60  }
0xb0: {  	[dreg:$0x2] =	wrdreg s2  }
0xb1: {  	[dreg:$0x3] =	wrdreg s19  }
0xb2: {  	[dreg:$0x4] =	wrdreg s4  }
0xb3: {  	[dreg:$0x5] =	wrdreg $0x9  }
0xb4: {  	_ =	task.clear_ibuf [dreg:s9], $0x6FFFF;
	_ =	strace $0x90000046  }
0xb5: {  	s29 =	simm.s32 $0x9;
	_ =	strace $0x80000048  }
0xb6: {  	_ =	swait.ge [sflag:s29], $0x1  }
0xb7: {  	[sflag:s29] =	ssyncadd.s32 $0xFFFFFFFF  }
0xb8: {  	_ =	strace $0x90000048  }
0xb9: {  	_ =	sfence  }
0xba: {  	s30 =	sld [smem:$0x0];
	_ =	sdelay $0x2  }
0xbb: {  	s31 =	sshll.u32 s1, $0xD;
	s1 =	sshrl.u32 s1, $0x2  }
0xbc: {  	s3 =	sand.u32 $0x4000, s31;
	s1 =	sadd.s32 s1, s30  }
0xbd: {  	s0 =	sor.u32 s3, s0;
	s1 =	sshll.u32 s1, $0x11  }
0xbe: {  	s0 =	sor.u32 s1, s0  }
0xbf: {  	s0 =	sadd.s32 $0x8F2B, s0  }
0xc0: {  	[sflag:s0] =	ssyncadd.remote.s32 $0x1  }
0xc1: {  	_ =	sfence.sel $0xFFFF  }
0xc2: {  	[dreg:$0x0] =	wrdreg $0xFFFFFFFF;
	(pc) =	sbr.abs _section_cstart, $3  }
0xc3: {  	[dreg:$0x1] =	wrdreg $0xFFFFFFFF  }
0xc4: {  	_ =	task.clear_ibuf [dreg:s9], $0x2FFFF;
	_ =	strace $0x9FFFFFFF  }
0xc5: {  	(tm) =	ssettm $0x7FFFFFFF  }
tec
execute0_lowered:
.L_overlay_start_1:
0x0: {  	(tag) =	ssettag $0x1  }
0x1: {  	s0 =	rddreg [dreg:$0x0]  }
0x2: {  	s2 =	rddreg [dreg:$0x1]  }
0x3: {  	s1 =	rddreg [dreg:$0x2];
	s4 =	srdreg.scid  }
0x4: {  	s10 =	stileid.u32;
	s3 =	simm.s32 $0x0;
	s13 =	simm.s32 $0x9  }
0x5: {  	s14 =	simm.s32 $0x80;
	s15 =	simm.s32 $0x1C00;
	s16 =	simm.s32 $0x5C00  }
0x6: {  	s18 =	simm.s32 $0x9C00;
	s20 =	simm.s32 $0xDC00;
	s21 =	simm.s32 $0x1  }
0x7: {  	s22 =	simm.s32 $0x2;
	s23 =	simm.s32 $0x5;
	s24 =	simm.s32 $0x3  }
0x8: {  	s28 =	simm.s32 $0x7;
	s29 =	simm.s32 $0x8;
	s11 =	sand.u32 $0x1, s4  }
0x9: {  	s25 =	sshll.u32 s10, $0x1;
	[smem:$0x7FF] =	sst s3;
	s30 =	sshll.u32 s10, $0xC  }
0xa: {  	s5 =	ssub.s32 $0x2, s11;
	s4 =	sor.u32 s11, s25;
	_ =	strace $0x80000047  }
0xb: {  	s31 =	sshll.u32 s11, $0xB;
	s25 =	simm.s32 $0x6;
	s6 =	sshrl.u32 s5, $0x1  }
0xc: {  	s7 =	sshll.u32 s4, $0xB;
	s26 =	sshll.u32 s4, $0x7;
	s12 =	ssub.s32 s5, s6  }
0xd: {  	s4 =	sadd.s32 s1, s7;
	s5 =	sadd.s32 s0, s26;
	s0 =	sadd.s32 s30, s1  }
0xe: {  	s26 =	simm.s32 $0x4;
	s6 =	sadd.s32 $0x2D0000, s4;
	s7 =	sadd.s32 $0x2E0000, s4  }
0xf: {  	s8 =	sadd.s32 $0x2F0000, s4;
	s9 =	sadd.s32 $0x300000, s4;
	s10 =	sadd.s32 $0x310000, s4  }
0x10: {  	s11 =	smax.u32 s12, $0x1;
	s12 =	sadd.s32 s31, s0;
	s0 =	simm.s32 $0x0  }
.LBB2_1:
0x11: {  	s17 =	sand.u32 $0x7000, s3  }
0x12: {  	s1 =	simm.s32 $0x200;
	s30 =	sand.u32 $0x70, s3;
	s17 =	sadd.s32 s17, s5  }
0x13: {  	s19 =	simm.s32 $0x0;
	s30 =	sadd.s32 s30, s17;
	s17 =	simm.s32 $0x10  }
.LBB2_2:
0x14: {  	[tilespmem:s19], [sflag:$0x9] =	stream.linear.gather [hbm4b:s30+s3], $0x80, $0x38;
	[tilespmem:$0x11C00] =	vst v63  }
0x15: {  	s19 =	smov.u32 s1;
	p0 =	sne.s32 s1, $0x6200  }
.Ltmp0:
0x16: {  	s1 =	sadd.s32 $0x200, s1;
	(pc) =	sbr.rel @p0 .LBB2_2-.Ltmp0, $4  }
0x17: {  	_ = 	snop  }
0x18: {  	s30 =	sand.u32 $0x7000, s19  }
0x19: {  	s31 =	sand.u32 $0x70, s17;
	s30 =	sadd.s32 s30, s5  }
0x1a: {  	s17 =	sadd.s32 $0x10, s17;
	s19 =	sshra.s32 s19, $0x2;
	s30 =	sadd.s32 s31, s30  }
0x1b: {  	[tilespmem:s19], [sflag:$0x9] =	stream.linear.gather [hbm4b:s30+s3], $0x80, $0x38;
	[tilespmem:$0x11C00] =	vst v63  }
0x1c: {  	_ =	swait.ge [sflag:s13], $0x80  }
0x1d: {  	[sflag:s13] =	ssyncset.done $0x0  }
0x1e: {  	s1 =	simm.s32 $0x0;
	[sflag:s13] =	ssyncadd.s32 $0xFFFFFF80  }
0x1f: {  	[tilespmem:s15], [sflag:$0x1] =	stream.indirect.gather [hbm4b:s2+s14], $0x80, s1, s14, $0xb8;
	[tilespmem:$0x11C00] =	vst v63  }
0x20: {  	_ =	swait.ge [sflag:s13], $0x80  }
0x21: {  	[sflag:s13] =	ssyncset.done $0x0  }
0x22: {  	[sflag:s13] =	ssyncadd.s32 $0xFFFFFF80  }
0x23: {  	[tilespmem:s16], [sflag:$0x2] =	stream.indirect.gather [hbm4b:s2+s14], $0x80, s14, s14, $0xb8;
	[tilespmem:$0x11C00] =	vst v63  }
0x24: {  	_ =	swait.ge [sflag:s13], $0x80  }
0x25: {  	[sflag:s13] =	ssyncset.done $0x0  }
0x26: {  	s17 =	simm.s32 $0x100;
	[sflag:s13] =	ssyncadd.s32 $0xFFFFFF80  }
0x27: {  	[tilespmem:s18], [sflag:$0x3] =	stream.indirect.gather [hbm4b:s2+s14], $0x80, s17, s14, $0xb8;
	[tilespmem:$0x11C00] =	vst v63  }
0x28: {  	_ =	swait.ge [sflag:s13], $0x80  }
0x29: {  	[sflag:s13] =	ssyncset.done $0x0  }
0x2a: {  	s31 =	simm.s32 $0x180;
	[sflag:s13] =	ssyncadd.s32 $0xFFFFFF80  }
0x2b: {  	[tilespmem:s20], [sflag:$0x4] =	stream.indirect.gather [hbm4b:s2+s14], $0x80, s31, s14, $0xb8;
	[tilespmem:$0x11C00] =	vst v63  }
0x2c: {  	_ =	swait.ge [sflag:s21], $0x4000  }
0x2d: {  	[sflag:s21] =	ssyncset.done $0x0  }
0x2e: {  	[sflag:s21] =	ssyncadd.s32 $0xFFFFC000  }
0x2f: {  	[hbm4b:s4+s1] =	stream.linear.scatter [tilespmem:s15], [sflag:$0x5], $0x4000, $0x38;
	[tilespmem:$0x11C00] =	vst v63  }
0x30: {  	_ =	swait.ge [sflag:s22], $0x4000  }
0x31: {  	s1 =	sadd.s32 $0x0, s12;
	[sflag:s22] =	ssyncset.done $0x0  }
0x32: {  	s19 =	sadd.s32 $0x10000, s1;
	[sflag:s22] =	ssyncadd.s32 $0xFFFFC000  }
0x33: {  	[hbm4b:s19+s3] =	stream.linear.scatter [tilespmem:s16], [sflag:$0x6], $0x4000, $0x38;
	[tilespmem:$0x11C00] =	vst v63  }
0x34: {  	_ =	swait.ge [sflag:s23], $0x4000  }
0x35: {  	[sflag:s23] =	ssyncset.done $0x0  }
0x36: {  	[sflag:s23] =	ssyncadd.s32 $0xFFFFC000  }
0x37: {  	_ =	swait.ge [sflag:s13], $0x80  }
0x38: {  	[sflag:s13] =	ssyncset.done $0x0  }
0x39: {  	s30 =	simm.s32 $0x200;
	[sflag:s13] =	ssyncadd.s32 $0xFFFFFF80  }
0x3a: {  	[tilespmem:s15], [sflag:$0x1] =	stream.indirect.gather [hbm4b:s2+s14], $0x80, s30, s14, $0xb8;
	[tilespmem:$0x11C00] =	vst v63  }
0x3b: {  	_ =	swait.ge [sflag:s24], $0x4000  }
0x3c: {  	[sflag:s24] =	ssyncset.done $0x0  }
0x3d: {  	s31 =	sadd.s32 $0x20000, s1;
	[sflag:s24] =	ssyncadd.s32 $0xFFFFC000  }
0x3e: {  	[hbm4b:s31+s3] =	stream.linear.scatter [tilespmem:s18], [sflag:$0x7], $0x4000, $0x38;
	[tilespmem:$0x11C00] =	vst v63  }
0x3f: {  	_ =	swait.ge [sflag:s25], $0x4000  }
0x40: {  	[sflag:s25] =	ssyncset.done $0x0  }
0x41: {  	[sflag:s25] =	ssyncadd.s32 $0xFFFFC000  }
0x42: {  	_ =	swait.ge [sflag:s13], $0x80  }
0x43: {  	[sflag:s13] =	ssyncset.done $0x0  }
0x44: {  	s19 =	simm.s32 $0x280;
	[sflag:s13] =	ssyncadd.s32 $0xFFFFFF80  }
0x45: {  	[tilespmem:s16], [sflag:$0x2] =	stream.indirect.gather [hbm4b:s2+s14], $0x80, s19, s14, $0xb8;
	[tilespmem:$0x11C00] =	vst v63  }
0x46: {  	_ =	swait.ge [sflag:s26], $0x4000  }
0x47: {  	[sflag:s26] =	ssyncset.done $0x0  }
0x48: {  	s30 =	sadd.s32 $0x30000, s1;
	[sflag:s26] =	ssyncadd.s32 $0xFFFFC000  }
0x49: {  	[hbm4b:s30+s3] =	stream.linear.scatter [tilespmem:s20], [sflag:$0x8], $0x4000, $0x38;
	[tilespmem:$0x11C00] =	vst v63  }
0x4a: {  	_ =	swait.ge [sflag:s28], $0x4000  }
0x4b: {  	[sflag:s28] =	ssyncset.done $0x0  }
0x4c: {  	[sflag:s28] =	ssyncadd.s32 $0xFFFFC000  }
0x4d: {  	_ =	swait.ge [sflag:s13], $0x80  }
0x4e: {  	[sflag:s13] =	ssyncset.done $0x0  }
0x4f: {  	s31 =	simm.s32 $0x300;
	[sflag:s13] =	ssyncadd.s32 $0xFFFFFF80  }
0x50: {  	[tilespmem:s18], [sflag:$0x3] =	stream.indirect.gather [hbm4b:s2+s14], $0x80, s31, s14, $0xb8;
	[tilespmem:$0x11C00] =	vst v63  }
0x51: {  	_ =	swait.ge [sflag:s21], $0x4000  }
0x52: {  	[sflag:s21] =	ssyncset.done $0x0  }
0x53: {  	s1 =	sadd.s32 $0x40000, s1;
	[sflag:s21] =	ssyncadd.s32 $0xFFFFC000  }
0x54: {  	[hbm4b:s1+s3] =	stream.linear.scatter [tilespmem:s15], [sflag:$0x5], $0x4000, $0x38;
	[tilespmem:$0x11C00] =	vst v63  }
0x55: {  	_ =	swait.ge [sflag:s29], $0x4000  }
0x56: {  	[sflag:s29] =	ssyncset.done $0x0  }
0x57: {  	[sflag:s29] =	ssyncadd.s32 $0xFFFFC000  }
0x58: {  	_ =	swait.ge [sflag:s13], $0x80  }
0x59: {  	s17 =	simm.s32 $0x40000;
	[sflag:s13] =	ssyncset.done $0x0  }
0x5a: {  	s19 =	simm.s32 $0x580;
	s1 =	simm.s32 $0x380;
	[sflag:s13] =	ssyncadd.s32 $0xFFFFFF80  }
.LBB2_4:
0x5b: {  	[tilespmem:s20], [sflag:$0x4] =	stream.indirect.gather [hbm4b:s2+s14], $0x80, s1, s14, $0xb8;
	[tilespmem:$0x11C00] =	vst v63  }
0x5c: {  	s30 =	smov.u32 s17;
	s1 =	smov.u32 s19  }
0x5d: {  	p0 =	sne.s32 s17, $0x280000;
	s17 =	sadd.s32 $0x40000, s17;
	_ =	swait.ge [sflag:s22], $0x4000  }
0x5e: {  	s30 =	sadd.s32 s30, s12;
	[sflag:s22] =	ssyncset.done $0x0  }
0x5f: {  	s31 =	sadd.s32 $0x10000, s30;
	[sflag:s22] =	ssyncadd.s32 $0xFFFFC000  }
0x60: {  	[hbm4b:s31+s3] =	stream.linear.scatter [tilespmem:s16], [sflag:$0x6], $0x4000, $0x38;
	[tilespmem:$0x11C00] =	vst v63  }
0x61: {  	_ =	swait.ge [sflag:s23], $0x4000  }
0x62: {  	[sflag:s23] =	ssyncset.done $0x0  }
0x63: {  	[sflag:s23] =	ssyncadd.s32 $0xFFFFC000  }
0x64: {  	_ =	swait.ge [sflag:s13], $0x80  }
0x65: {  	[sflag:s13] =	ssyncset.done $0x0  }
0x66: {  	s31 =	sadd.s32 $0xFFFFFE80, s19;
	[sflag:s13] =	ssyncadd.s32 $0xFFFFFF80  }
0x67: {  	[tilespmem:s15], [sflag:$0x1] =	stream.indirect.gather [hbm4b:s2+s14], $0x80, s31, s14, $0xb8;
	[tilespmem:$0x11C00] =	vst v63  }
0x68: {  	_ =	swait.ge [sflag:s24], $0x4000  }
0x69: {  	[sflag:s24] =	ssyncset.done $0x0  }
0x6a: {  	s31 =	sadd.s32 $0x20000, s30;
	[sflag:s24] =	ssyncadd.s32 $0xFFFFC000  }
0x6b: {  	[hbm4b:s31+s3] =	stream.linear.scatter [tilespmem:s18], [sflag:$0x7], $0x4000, $0x38;
	[tilespmem:$0x11C00] =	vst v63  }
0x6c: {  	_ =	swait.ge [sflag:s25], $0x4000  }
0x6d: {  	[sflag:s25] =	ssyncset.done $0x0  }
0x6e: {  	[sflag:s25] =	ssyncadd.s32 $0xFFFFC000  }
0x6f: {  	_ =	swait.ge [sflag:s13], $0x80  }
0x70: {  	[sflag:s13] =	ssyncset.done $0x0  }
0x71: {  	s31 =	sadd.s32 $0xFFFFFF00, s19;
	[sflag:s13] =	ssyncadd.s32 $0xFFFFFF80  }
0x72: {  	[tilespmem:s16], [sflag:$0x2] =	stream.indirect.gather [hbm4b:s2+s14], $0x80, s31, s14, $0xb8;
	[tilespmem:$0x11C00] =	vst v63  }
0x73: {  	_ =	swait.ge [sflag:s26], $0x4000  }
0x74: {  	[sflag:s26] =	ssyncset.done $0x0  }
0x75: {  	s31 =	sadd.s32 $0x30000, s30;
	[sflag:s26] =	ssyncadd.s32 $0xFFFFC000  }
0x76: {  	[hbm4b:s31+s3] =	stream.linear.scatter [tilespmem:s20], [sflag:$0x8], $0x4000, $0x38;
	[tilespmem:$0x11C00] =	vst v63  }
0x77: {  	_ =	swait.ge [sflag:s28], $0x4000  }
0x78: {  	[sflag:s28] =	ssyncset.done $0x0  }
0x79: {  	[sflag:s28] =	ssyncadd.s32 $0xFFFFC000  }
0x7a: {  	_ =	swait.ge [sflag:s13], $0x80  }
0x7b: {  	[sflag:s13] =	ssyncset.done $0x0  }
0x7c: {  	s31 =	sadd.s32 $0xFFFFFF80, s19;
	[sflag:s13] =	ssyncadd.s32 $0xFFFFFF80  }
0x7d: {  	[tilespmem:s18], [sflag:$0x3] =	stream.indirect.gather [hbm4b:s2+s14], $0x80, s31, s14, $0xb8;
	[tilespmem:$0x11C00] =	vst v63  }
0x7e: {  	_ =	swait.ge [sflag:s21], $0x4000  }
0x7f: {  	[sflag:s21] =	ssyncset.done $0x0  }
0x80: {  	s30 =	sadd.s32 $0x40000, s30;
	[sflag:s21] =	ssyncadd.s32 $0xFFFFC000  }
0x81: {  	[hbm4b:s30+s3] =	stream.linear.scatter [tilespmem:s15], [sflag:$0x5], $0x4000, $0x38;
	[tilespmem:$0x11C00] =	vst v63  }
0x82: {  	_ =	swait.ge [sflag:s29], $0x4000  }
.Ltmp1:
0x83: {  	[sflag:s29] =	ssyncset.done $0x0;
	(pc) =	sbr.rel @p0 .LBB2_4-.Ltmp1, $4  }
0x84: {  	[sflag:s29] =	ssyncadd.s32 $0xFFFFC000  }
0x85: {  	_ =	swait.ge [sflag:s13], $0x80  }
0x86: {  	[sflag:s13] =	ssyncset.done $0x0  }
0x87: {  	s19 =	sadd.s32 $0x200, s19;
	[sflag:s13] =	ssyncadd.s32 $0xFFFFFF80  }
0x88: {  	[tilespmem:s20], [sflag:$0x4] =	stream.indirect.gather [hbm4b:s2+s14], $0x80, s1, s14, $0xb8;
	[tilespmem:$0x11C00] =	vst v63  }
0x89: {  	_ =	swait.ge [sflag:s22], $0x4000  }
0x8a: {  	[sflag:s22] =	ssyncset.done $0x0  }
0x8b: {  	[sflag:s22] =	ssyncadd.s32 $0xFFFFC000  }
0x8c: {  	[hbm4b:s6+s3] =	stream.linear.scatter [tilespmem:s16], [sflag:$0x6], $0x4000, $0x38;
	[tilespmem:$0x11C00] =	vst v63  }
0x8d: {  	_ =	swait.ge [sflag:s23], $0x4000  }
0x8e: {  	[sflag:s23] =	ssyncset.done $0x0  }
0x8f: {  	[sflag:s23] =	ssyncadd.s32 $0xFFFFC000  }
0x90: {  	_ =	swait.ge [sflag:s13], $0x80  }
0x91: {  	[sflag:s13] =	ssyncset.done $0x0  }
0x92: {  	s30 =	simm.s32 $0x1800;
	[sflag:s13] =	ssyncadd.s32 $0xFFFFFF80  }
0x93: {  	[tilespmem:s15], [sflag:$0x1] =	stream.indirect.gather [hbm4b:s2+s14], $0x80, s30, s14, $0xb8;
	[tilespmem:$0x11C00] =	vst v63  }
0x94: {  	_ =	swait.ge [sflag:s24], $0x4000  }
0x95: {  	[sflag:s24] =	ssyncset.done $0x0  }
0x96: {  	[sflag:s24] =	ssyncadd.s32 $0xFFFFC000  }
0x97: {  	[hbm4b:s7+s3] =	stream.linear.scatter [tilespmem:s18], [sflag:$0x7], $0x4000, $0x38;
	[tilespmem:$0x11C00] =	vst v63  }
0x98: {  	_ =	swait.ge [sflag:s25], $0x4000  }
0x99: {  	[sflag:s25] =	ssyncset.done $0x0  }
0x9a: {  	[sflag:s25] =	ssyncadd.s32 $0xFFFFC000  }
0x9b: {  	_ =	swait.ge [sflag:s13], $0x80  }
0x9c: {  	[sflag:s13] =	ssyncset.done $0x0  }
0x9d: {  	s31 =	simm.s32 $0x1880;
	[sflag:s13] =	ssyncadd.s32 $0xFFFFFF80  }
0x9e: {  	[tilespmem:s16], [sflag:$0x2] =	stream.indirect.gather [hbm4b:s2+s14], $0x80, s31, s14, $0xb8;
	[tilespmem:$0x11C00] =	vst v63  }
0x9f: {  	_ =	swait.ge [sflag:s26], $0x4000  }
0xa0: {  	[sflag:s26] =	ssyncset.done $0x0  }
0xa1: {  	[sflag:s26] =	ssyncadd.s32 $0xFFFFC000  }
0xa2: {  	[hbm4b:s8+s3] =	stream.linear.scatter [tilespmem:s20], [sflag:$0x8], $0x4000, $0x38;
	[tilespmem:$0x11C00] =	vst v63  }
0xa3: {  	_ =	swait.ge [sflag:s28], $0x4000  }
0xa4: {  	[sflag:s28] =	ssyncset.done $0x0  }
0xa5: {  	[sflag:s28] =	ssyncadd.s32 $0xFFFFC000  }
0xa6: {  	_ =	swait.ge [sflag:s21], $0x4000  }
0xa7: {  	[sflag:s21] =	ssyncset.done $0x0  }
0xa8: {  	[sflag:s21] =	ssyncadd.s32 $0xFFFFC000  }
0xa9: {  	[hbm4b:s9+s3] =	stream.linear.scatter [tilespmem:s15], [sflag:$0x5], $0x4000, $0x38;
	[tilespmem:$0x11C00] =	vst v63  }
0xaa: {  	_ =	swait.ge [sflag:s29], $0x4000  }
0xab: {  	[sflag:s29] =	ssyncset.done $0x0  }
0xac: {  	[sflag:s29] =	ssyncadd.s32 $0xFFFFC000  }
0xad: {  	_ =	swait.ge [sflag:s22], $0x4000  }
0xae: {  	[sflag:s22] =	ssyncset.done $0x0  }
0xaf: {  	s0 =	sadd.s32 $0x1, s0;
	[sflag:s22] =	ssyncadd.s32 $0xFFFFC000  }
0xb0: {  	[hbm4b:s10+s3] =	stream.linear.scatter [tilespmem:s16], [sflag:$0x6], $0x4000, $0x38;
	[tilespmem:$0x11C00] =	vst v63  }
0xb1: {  	p0 =	sne.s32 s0, s11;
	_ =	swait.ge [sflag:s23], $0x4000  }
.Ltmp2:
0xb2: {  	[sflag:s23] =	ssyncset.done $0x0;
	(pc) =	sbr.rel @p0 .LBB2_1-.Ltmp2, $4  }
0xb3: {  	[sflag:s23] =	ssyncadd.s32 $0xFFFFC000  }
0xb4: {  	_ =	swait.ge [sflag:s25], $0x4000  }
0xb5: {  	[sflag:s25] =	ssyncset.done $0x0  }
0xb6: {  	[sflag:s25] =	ssyncadd.s32 $0xFFFFC000  }
0xb7: {  	_ =	sfence.sel $0x180000  }
0xb8: {  	[bflag:$0x0] =	sbarrier.arrive $0xFFFF  }
0xb9: {  	_ =	strace $0x90000047  }
0xba: {  	s0 =	stileid.u32;
	[bflag:$0x2] =	sbarrier.arrive $0xFFFF  }
0xbb: {  	p0 =	sne.s32 s0, $0x0;
	s0 =	rddreg [dreg:$0x3]  }
0xbc: {  	s0 =	sadd.s32 @!p0 $0x100000, s0  }
0xbd: {  	[sflag:s0] =	ssyncadd.tile.s32 @!p0 $0x1;
	_ =	shalt  }
.Lfunc_end2:
_tile_overlayer_lowered:
.L_overlay_start_2:
0xbe: {  	(tag) =	ssettag $0x2  }
0xbf: {  	s0 =	rddreg [dreg:$0x0];
	s2 =	stileid.u32  }
0xc0: {  	s1 =	rddreg [dreg:$0x1];
	p0 =	sne.s32 s2, $0x0  }
0xc1: {  	s3 =	rddreg [dreg:$0x2];
	[bflag:$0x3] =	sbarrier.arrive $0xFFFF;
	s2 =	simm.s32 @!p0 $0x1C0A  }
0xc2: {  	[timem:s3], [sflag:s2] =	dma.local @!p0 [hbm:s0], s1  }
0xc3: {  	s0 =	simm.s32 @!p0 $0xA  }
0xc4: {  	_ =	swait.ge @!p0 [sflag:s0], s1  }
0xc5: {  	s1 =	ssub.s32 @!p0 $0x0, s1;
	[sflag:s0] =	ssyncset.done @!p0 $0x0  }
0xc6: {  	[sflag:s0] =	ssyncadd.s32 @!p0 s1  }
0xc7: {  	[bflag:$0x3] =	sbarrier.arrive $0xFFFF  }
0xc8: {  	_ =	shalt  }

</sc_bundles>
